<compile_context>
chip_gen: v7x
topology: tpu7x:2x2x1
jax: 0.10.2.dev20260603
libtpu: 0.0.44.dev20260713+nightly
codegen_flags: <defaults>
</compile_context>

<pallas_src>
import functools

import jax
import jax.numpy as jnp
from jax import lax
from jax.experimental import pallas as pl
from jax.experimental.pallas import tpu as pltpu
from jax.experimental.pallas import tpu_sc as plsc

_NC = 2
_NS = 16
_NW = _NC * _NS
_NBUF = 5


@functools.partial(jax.jit, static_argnums=(2, 3, 4))
def _sc_gather(idx_t, table, b_sz, s_sz, d):
  bw = b_sz // _NW
  mesh = plsc.VectorSubcoreMesh(core_axis_name="c", subcore_axis_name="s")

  @functools.partial(
      pl.kernel,
      mesh=mesh,
      out_type=jax.ShapeDtypeStruct((s_sz, b_sz, d), jnp.float32),
      scratch_types=[
          pltpu.VMEM((s_sz, bw), jnp.int32),
          pltpu.VMEM((_NBUF, bw, d), jnp.float32),
      ] + [pltpu.SemaphoreType.DMA] * (2 * _NBUF),
      compiler_params=pltpu.CompilerParams(skip_device_barrier=True),
  )
  def k(idx_hbm, table_hbm, out_hbm, idx_v, rows_v, *sems):
    gsems = sems[:_NBUF]
    psems = sems[_NBUF:]
    wid = lax.axis_index("s") * _NC + lax.axis_index("c")
    base = wid * bw
    pltpu.sync_copy(idx_hbm.at[:, pl.ds(base, bw)], idx_v)

    def start_gather(s, b):
      pltpu.async_copy(table_hbm.at[idx_v.at[s]], rows_v.at[b], gsems[b])

    def wait_gather(s, b):
      pltpu.make_async_copy(
          table_hbm.at[idx_v.at[s]], rows_v.at[b], gsems[b]).wait()

    def start_put(s, b):
      pltpu.async_copy(
          rows_v.at[b], out_hbm.at[s, pl.ds(base, bw)], psems[b])

    def wait_put(s, b):
      pltpu.make_async_copy(
          rows_v.at[b], out_hbm.at[s, pl.ds(base, bw)], psems[b]).wait()

    for b in range(_NBUF):
      start_gather(b, b)

    def body(g, carry):
      for b in range(_NBUF):
        s = g * _NBUF + b
        wait_gather(s, b)
        start_put(s, b)
        if b > 0:
          wait_put(s - 1, b - 1)
          start_gather(s - 1 + _NBUF, b - 1)
      last = g * _NBUF + _NBUF - 1
      wait_put(last, _NBUF - 1)
      start_gather(last + _NBUF, _NBUF - 1)
      return carry

    ngroups = s_sz // _NBUF
    lax.fori_loop(0, ngroups - 1, body, 0)

    for b in range(_NBUF):
      s = (ngroups - 1) * _NBUF + b
      wait_gather(s, b)
      start_put(s, b)
      if b > 0:
        wait_put(s - 1, b - 1)
    wait_put(s_sz - 1, _NBUF - 1)

  return k(idx_t, table)


def kernel(indices, table):
  b_sz, s_sz = indices.shape
  v, d = table.shape
  assert b_sz % _NW == 0 and s_sz % _NBUF == 0, (b_sz, s_sz)
  out_t = _sc_gather(indices.T.astype(jnp.int32), table, b_sz, s_sz, d)
  return jnp.transpose(out_t, (1, 0, 2))

# --- scband reference (transcript-rebuilt; emitter-appended) ---
"""Pipeline reference for scband-embeddings-25933012533628 (READ-ONLY COPY).

The authoritative reference and input builder live on the scoring server;
editing this copy changes nothing except your own understanding.
"""

import jax, jax.numpy as jnp
import numpy as np

NUM_EMBEDDINGS = 100000
EMBEDDING_DIM = 128


def setup_inputs(seed: int = 0) -> dict:
    key = jax.random.key(seed)
    k_idx, k_tab = jax.random.split(key)
    indices = jax.random.randint(k_idx, (4096, 50), 0, NUM_EMBEDDINGS, dtype=jnp.int64 if jax.config.jax_enable_x64 else jnp.int32)
    table = jax.random.normal(k_tab, (NUM_EMBEDDINGS, EMBEDDING_DIM), dtype=jnp.float32)
    return {"indices": indices, "table": table}


def reference(indices, table):
    # nn.Embedding forward: gather rows of the weight table by index.
    return jnp.take(table, indices, axis=0)

if __name__ == "__main__":
    import jax
    _d = setup_inputs()
    print(jax.jit(kernel)(*tuple(_d.values())))

</pallas_src>

<mosaic_0001>
#map = affine_map<(d0, d1) -> (0, 0)>
#map1 = affine_map<(d0, d1) -> (0, 0, 0)>
module attributes {stable_mosaic.version = 14 : i64} {
  func.func @k(%arg0: i32, %arg1: i32, %arg2: memref<50x4096xi32, #tpu.memory_space<hbm>>, %arg3: memref<100000x128xf32, #tpu.memory_space<hbm>>, %arg4: memref<50x4096x128xf32, #tpu.memory_space<hbm>>, %arg5: memref<50x128xi32, #tpu.memory_space<vmem>>, %arg6: memref<5x128x128xf32, #tpu.memory_space<vmem>>, %arg7: memref<!tpu.dma_semaphore, #tpu.memory_space<semaphore_mem>>, %arg8: memref<!tpu.dma_semaphore, #tpu.memory_space<semaphore_mem>>, %arg9: memref<!tpu.dma_semaphore, #tpu.memory_space<semaphore_mem>>, %arg10: memref<!tpu.dma_semaphore, #tpu.memory_space<semaphore_mem>>, %arg11: memref<!tpu.dma_semaphore, #tpu.memory_space<semaphore_mem>>, %arg12: memref<!tpu.dma_semaphore, #tpu.memory_space<semaphore_mem>>, %arg13: memref<!tpu.dma_semaphore, #tpu.memory_space<semaphore_mem>>, %arg14: memref<!tpu.dma_semaphore, #tpu.memory_space<semaphore_mem>>, %arg15: memref<!tpu.dma_semaphore, #tpu.memory_space<semaphore_mem>>, %arg16: memref<!tpu.dma_semaphore, #tpu.memory_space<semaphore_mem>>) attributes {dimension_semantics = [#tpu.dimension_semantics<core_parallel>, #tpu.dimension_semantics<subcore_parallel>], iteration_bounds = array<i64: 2, 16>, scalar_prefetch = 0 : i64, scratch_operands = 12 : i64, tpu.core_type = #tpu.core_type<sc_vector_subcore>, window_params = [{transform_indices = #map}, {transform_indices = #map}, {transform_indices = #map1}]} {
    %mul3A = arith.constant 2 : i32
    %mul3A_0 = arith.muli %arg1, %mul3A : i32
    %add3A = arith.addi %mul3A_0, %arg0 : i32
    %mul3A_1 = arith.constant 128 : i32
    %mul3A_2 = arith.muli %add3A, %mul3A_1 : i32
    "tpu.region"() ({
      %run_scoped3A = tpu.sem_alloc : memref<!tpu.dma_semaphore, #tpu.memory_space<semaphore_mem>>
      %dma_start3A_286 = arith.constant 0 : i32
      %dma_start3A_287 = tpu.memref_slice %arg2[%dma_start3A_286, %mul3A_2] : memref<50x4096xi32, #tpu.memory_space<hbm>> -> memref<50x128xi32, #tpu.memory_space<hbm>>
      %dma_start3A_288 = arith.constant 0 : i32
      %dma_start3A_289 = tpu.memref_slice %arg2[%dma_start3A_288, %mul3A_2] : memref<50x4096xi32, #tpu.memory_space<hbm>> -> memref<50x128xi32, #tpu.memory_space<hbm>>
      tpu.enqueue_dma source(%dma_start3A_289 : memref<50x128xi32, #tpu.memory_space<hbm>>) target(%arg5 : memref<50x128xi32, #tpu.memory_space<vmem>>) target_semaphore(%run_scoped3A : memref<!tpu.dma_semaphore, #tpu.memory_space<semaphore_mem>>)
      %dma_wait3A_290 = arith.constant 0 : i32
      %dma_wait3A_291 = tpu.memref_slice %arg2[%dma_wait3A_290, %mul3A_2] : memref<50x4096xi32, #tpu.memory_space<hbm>> -> memref<50x128xi32, #tpu.memory_space<hbm>>
      %dma_wait3A_292 = arith.constant 0 : i32
      %dma_wait3A_293 = tpu.memref_slice %arg2[%dma_wait3A_292, %mul3A_2] : memref<50x4096xi32, #tpu.memory_space<hbm>> -> memref<50x128xi32, #tpu.memory_space<hbm>>
      tpu.wait_dma2 semaphore(%run_scoped3A : memref<!tpu.dma_semaphore, #tpu.memory_space<semaphore_mem>>) src(%dma_wait3A_293 : memref<50x128xi32, #tpu.memory_space<hbm>>) dst(%arg5 : memref<50x128xi32, #tpu.memory_space<vmem>>)
      tpu.yield
    }) : () -> ()
    %dma_start3A = arith.constant 0 : i32
    %dma_start3A_3 = arith.constant 0 : i32
    %dma_start3A_4 = arith.constant 0 : i32
    %dma_start3A_5 = arith.constant 0 : i32
    %dma_start3A_6 = tpu.memref_slice %arg6[%dma_start3A_3, %dma_start3A_4, %dma_start3A_5] : memref<5x128x128xf32, #tpu.memory_space<vmem>> -> memref<1x128x128xf32, #tpu.memory_space<vmem>>
    %dma_start3A_7 = tpu.memref_squeeze %dma_start3A_6 : memref<1x128x128xf32, #tpu.memory_space<vmem>> -> memref<128x128xf32, #tpu.memory_space<vmem>>
    %dma_start3A_8 = arith.constant 0 : i32
    %dma_start3A_9 = tpu.memref_slice %arg5[%dma_start3A, %dma_start3A_8] : memref<50x128xi32, #tpu.memory_space<vmem>> -> memref<1x128xi32, #tpu.memory_space<vmem>>
    %dma_start3A_10 = tpu.memref_squeeze %dma_start3A_9 : memref<1x128xi32, #tpu.memory_space<vmem>> -> memref<128xi32, #tpu.memory_space<vmem>>
    %dma_start3A_11 = arith.constant 0 : i32
    %dma_start3A_12 = arith.constant 0 : i32
    %dma_start3A_13 = tpu.memref_slice %arg3[%dma_start3A_11, %dma_start3A_12] : memref<100000x128xf32, #tpu.memory_space<hbm>> -> memref<100000x128xf32, #tpu.memory_space<hbm>>
    tpu.enqueue_indirect_dma source(%dma_start3A_13 : memref<100000x128xf32, #tpu.memory_space<hbm>>) target(%dma_start3A_7 : memref<128x128xf32, #tpu.memory_space<vmem>>) offsets(%dma_start3A_10 : memref<128xi32, #tpu.memory_space<vmem>>) semaphore(%arg7 : memref<!tpu.dma_semaphore, #tpu.memory_space<semaphore_mem>>)
    %dma_start3A_14 = arith.constant 1 : i32
    %dma_start3A_15 = arith.constant 1 : i32
    %dma_start3A_16 = arith.constant 0 : i32
    %dma_start3A_17 = arith.constant 0 : i32
    %dma_start3A_18 = tpu.memref_slice %arg6[%dma_start3A_15, %dma_start3A_16, %dma_start3A_17] : memref<5x128x128xf32, #tpu.memory_space<vmem>> -> memref<1x128x128xf32, #tpu.memory_space<vmem>>
    %dma_start3A_19 = tpu.memref_squeeze %dma_start3A_18 : memref<1x128x128xf32, #tpu.memory_space<vmem>> -> memref<128x128xf32, #tpu.memory_space<vmem>>
    %dma_start3A_20 = arith.constant 0 : i32
    %dma_start3A_21 = tpu.memref_slice %arg5[%dma_start3A_14, %dma_start3A_20] : memref<50x128xi32, #tpu.memory_space<vmem>> -> memref<1x128xi32, #tpu.memory_space<vmem>>
    %dma_start3A_22 = tpu.memref_squeeze %dma_start3A_21 : memref<1x128xi32, #tpu.memory_space<vmem>> -> memref<128xi32, #tpu.memory_space<vmem>>
    %dma_start3A_23 = arith.constant 0 : i32
    %dma_start3A_24 = arith.constant 0 : i32
    %dma_start3A_25 = tpu.memref_slice %arg3[%dma_start3A_23, %dma_start3A_24] : memref<100000x128xf32, #tpu.memory_space<hbm>> -> memref<100000x128xf32, #tpu.memory_space<hbm>>
    tpu.enqueue_indirect_dma source(%dma_start3A_25 : memref<100000x128xf32, #tpu.memory_space<hbm>>) target(%dma_start3A_19 : memref<128x128xf32, #tpu.memory_space<vmem>>) offsets(%dma_start3A_22 : memref<128xi32, #tpu.memory_space<vmem>>) semaphore(%arg8 : memref<!tpu.dma_semaphore, #tpu.memory_space<semaphore_mem>>)
    %dma_start3A_26 = arith.constant 2 : i32
    %dma_start3A_27 = arith.constant 2 : i32
    %dma_start3A_28 = arith.constant 0 : i32
    %dma_start3A_29 = arith.constant 0 : i32
    %dma_start3A_30 = tpu.memref_slice %arg6[%dma_start3A_27, %dma_start3A_28, %dma_start3A_29] : memref<5x128x128xf32, #tpu.memory_space<vmem>> -> memref<1x128x128xf32, #tpu.memory_space<vmem>>
    %dma_start3A_31 = tpu.memref_squeeze %dma_start3A_30 : memref<1x128x128xf32, #tpu.memory_space<vmem>> -> memref<128x128xf32, #tpu.memory_space<vmem>>
    %dma_start3A_32 = arith.constant 0 : i32
    %dma_start3A_33 = tpu.memref_slice %arg5[%dma_start3A_26, %dma_start3A_32] : memref<50x128xi32, #tpu.memory_space<vmem>> -> memref<1x128xi32, #tpu.memory_space<vmem>>
    %dma_start3A_34 = tpu.memref_squeeze %dma_start3A_33 : memref<1x128xi32, #tpu.memory_space<vmem>> -> memref<128xi32, #tpu.memory_space<vmem>>
    %dma_start3A_35 = arith.constant 0 : i32
    %dma_start3A_36 = arith.constant 0 : i32
    %dma_start3A_37 = tpu.memref_slice %arg3[%dma_start3A_35, %dma_start3A_36] : memref<100000x128xf32, #tpu.memory_space<hbm>> -> memref<100000x128xf32, #tpu.memory_space<hbm>>
    tpu.enqueue_indirect_dma source(%dma_start3A_37 : memref<100000x128xf32, #tpu.memory_space<hbm>>) target(%dma_start3A_31 : memref<128x128xf32, #tpu.memory_space<vmem>>) offsets(%dma_start3A_34 : memref<128xi32, #tpu.memory_space<vmem>>) semaphore(%arg9 : memref<!tpu.dma_semaphore, #tpu.memory_space<semaphore_mem>>)
    %dma_start3A_38 = arith.constant 3 : i32
    %dma_start3A_39 = arith.constant 3 : i32
    %dma_start3A_40 = arith.constant 0 : i32
    %dma_start3A_41 = arith.constant 0 : i32
    %dma_start3A_42 = tpu.memref_slice %arg6[%dma_start3A_39, %dma_start3A_40, %dma_start3A_41] : memref<5x128x128xf32, #tpu.memory_space<vmem>> -> memref<1x128x128xf32, #tpu.memory_space<vmem>>
    %dma_start3A_43 = tpu.memref_squeeze %dma_start3A_42 : memref<1x128x128xf32, #tpu.memory_space<vmem>> -> memref<128x128xf32, #tpu.memory_space<vmem>>
    %dma_start3A_44 = arith.constant 0 : i32
    %dma_start3A_45 = tpu.memref_slice %arg5[%dma_start3A_38, %dma_start3A_44] : memref<50x128xi32, #tpu.memory_space<vmem>> -> memref<1x128xi32, #tpu.memory_space<vmem>>
    %dma_start3A_46 = tpu.memref_squeeze %dma_start3A_45 : memref<1x128xi32, #tpu.memory_space<vmem>> -> memref<128xi32, #tpu.memory_space<vmem>>
    %dma_start3A_47 = arith.constant 0 : i32
    %dma_start3A_48 = arith.constant 0 : i32
    %dma_start3A_49 = tpu.memref_slice %arg3[%dma_start3A_47, %dma_start3A_48] : memref<100000x128xf32, #tpu.memory_space<hbm>> -> memref<100000x128xf32, #tpu.memory_space<hbm>>
    tpu.enqueue_indirect_dma source(%dma_start3A_49 : memref<100000x128xf32, #tpu.memory_space<hbm>>) target(%dma_start3A_43 : memref<128x128xf32, #tpu.memory_space<vmem>>) offsets(%dma_start3A_46 : memref<128xi32, #tpu.memory_space<vmem>>) semaphore(%arg10 : memref<!tpu.dma_semaphore, #tpu.memory_space<semaphore_mem>>)
    %dma_start3A_50 = arith.constant 4 : i32
    %dma_start3A_51 = arith.constant 4 : i32
    %dma_start3A_52 = arith.constant 0 : i32
    %dma_start3A_53 = arith.constant 0 : i32
    %dma_start3A_54 = tpu.memref_slice %arg6[%dma_start3A_51, %dma_start3A_52, %dma_start3A_53] : memref<5x128x128xf32, #tpu.memory_space<vmem>> -> memref<1x128x128xf32, #tpu.memory_space<vmem>>
    %dma_start3A_55 = tpu.memref_squeeze %dma_start3A_54 : memref<1x128x128xf32, #tpu.memory_space<vmem>> -> memref<128x128xf32, #tpu.memory_space<vmem>>
    %dma_start3A_56 = arith.constant 0 : i32
    %dma_start3A_57 = tpu.memref_slice %arg5[%dma_start3A_50, %dma_start3A_56] : memref<50x128xi32, #tpu.memory_space<vmem>> -> memref<1x128xi32, #tpu.memory_space<vmem>>
    %dma_start3A_58 = tpu.memref_squeeze %dma_start3A_57 : memref<1x128xi32, #tpu.memory_space<vmem>> -> memref<128xi32, #tpu.memory_space<vmem>>
    %dma_start3A_59 = arith.constant 0 : i32
    %dma_start3A_60 = arith.constant 0 : i32
    %dma_start3A_61 = tpu.memref_slice %arg3[%dma_start3A_59, %dma_start3A_60] : memref<100000x128xf32, #tpu.memory_space<hbm>> -> memref<100000x128xf32, #tpu.memory_space<hbm>>
    tpu.enqueue_indirect_dma source(%dma_start3A_61 : memref<100000x128xf32, #tpu.memory_space<hbm>>) target(%dma_start3A_55 : memref<128x128xf32, #tpu.memory_space<vmem>>) offsets(%dma_start3A_58 : memref<128xi32, #tpu.memory_space<vmem>>) semaphore(%arg11 : memref<!tpu.dma_semaphore, #tpu.memory_space<semaphore_mem>>)
    %scan3A = arith.constant 0 : i32
    %scan3A_62 = arith.constant 0 : i32
    %scan3A_63 = arith.constant 9 : i32
    %scan3A_64 = arith.addi %scan3A_62, %scan3A_63 : i32
    %scan3A_65 = arith.constant 1 : i32
    scf.for %scan3A_286 = %scan3A_62 to %scan3A_64 step %scan3A_65  : i32 {
      %mul3A_287 = arith.constant 5 : i32
      %mul3A_288 = arith.muli %scan3A_286, %mul3A_287 : i32
      %add3A_289 = arith.constant 0 : i32
      %add3A_290 = arith.addi %mul3A_288, %add3A_289 : i32
      %dma_wait3A_291 = arith.constant 0 : i32
      %dma_wait3A_292 = arith.constant 0 : i32
      %dma_wait3A_293 = arith.constant 0 : i32
      %dma_wait3A_294 = tpu.memref_slice %arg6[%dma_wait3A_291, %dma_wait3A_292, %dma_wait3A_293] : memref<5x128x128xf32, #tpu.memory_space<vmem>> -> memref<1x128x128xf32, #tpu.memory_space<vmem>>
      %dma_wait3A_295 = tpu.memref_squeeze %dma_wait3A_294 : memref<1x128x128xf32, #tpu.memory_space<vmem>> -> memref<128x128xf32, #tpu.memory_space<vmem>>
      %dma_wait3A_296 = arith.constant 0 : i32
      %dma_wait3A_297 = tpu.memref_slice %arg5[%add3A_290, %dma_wait3A_296] : memref<50x128xi32, #tpu.memory_space<vmem>> -> memref<1x128xi32, #tpu.memory_space<vmem>>
      %dma_wait3A_298 = tpu.memref_squeeze %dma_wait3A_297 : memref<1x128xi32, #tpu.memory_space<vmem>> -> memref<128xi32, #tpu.memory_space<vmem>>
      %dma_wait3A_299 = arith.constant 0 : i32
      %dma_wait3A_300 = arith.constant 0 : i32
      %dma_wait3A_301 = tpu.memref_slice %arg3[%dma_wait3A_299, %dma_wait3A_300] : memref<100000x128xf32, #tpu.memory_space<hbm>> -> memref<100000x128xf32, #tpu.memory_space<hbm>>
      tpu.wait_indirect_dma semaphore(%arg7 : memref<!tpu.dma_semaphore, #tpu.memory_space<semaphore_mem>>) src(%dma_wait3A_301 : memref<100000x128xf32, #tpu.memory_space<hbm>>) dst(%dma_wait3A_295 : memref<128x128xf32, #tpu.memory_space<vmem>>)
      %dma_start3A_302 = arith.constant 0 : i32
      %dma_start3A_303 = arith.constant 0 : i32
      %dma_start3A_304 = arith.constant 0 : i32
      %dma_start3A_305 = tpu.memref_slice %arg6[%dma_start3A_302, %dma_start3A_303, %dma_start3A_304] : memref<5x128x128xf32, #tpu.memory_space<vmem>> -> memref<1x128x128xf32, #tpu.memory_space<vmem>>
      %dma_start3A_306 = tpu.memref_squeeze %dma_start3A_305 : memref<1x128x128xf32, #tpu.memory_space<vmem>> -> memref<128x128xf32, #tpu.memory_space<vmem>>
      %dma_start3A_307 = arith.constant 0 : i32
      %dma_start3A_308 = tpu.memref_slice %arg4[%add3A_290, %mul3A_2, %dma_start3A_307] : memref<50x4096x128xf32, #tpu.memory_space<hbm>> -> memref<1x128x128xf32, #tpu.memory_space<hbm>>
      %dma_start3A_309 = tpu.memref_squeeze %dma_start3A_308 : memref<1x128x128xf32, #tpu.memory_space<hbm>> -> memref<128x128xf32, #tpu.memory_space<hbm>>
      %dma_start3A_310 = arith.constant 0 : i32
      %dma_start3A_311 = tpu.memref_slice %arg4[%add3A_290, %mul3A_2, %dma_start3A_310] : memref<50x4096x128xf32, #tpu.memory_space<hbm>> -> memref<1x128x128xf32, #tpu.memory_space<hbm>>
      %dma_start3A_312 = tpu.memref_squeeze %dma_start3A_311 : memref<1x128x128xf32, #tpu.memory_space<hbm>> -> memref<128x128xf32, #tpu.memory_space<hbm>>
      %dma_start3A_313 = arith.constant 0 : i32
      %dma_start3A_314 = arith.constant 0 : i32
      %dma_start3A_315 = tpu.memref_slice %arg6[%dma_start3A_302, %dma_start3A_313, %dma_start3A_314] : memref<5x128x128xf32, #tpu.memory_space<vmem>> -> memref<1x128x128xf32, #tpu.memory_space<vmem>>
      %dma_start3A_316 = tpu.memref_squeeze %dma_start3A_315 : memref<1x128x128xf32, #tpu.memory_space<vmem>> -> memref<128x128xf32, #tpu.memory_space<vmem>>
      tpu.enqueue_dma source(%dma_start3A_316 : memref<128x128xf32, #tpu.memory_space<vmem>>) target(%dma_start3A_312 : memref<128x128xf32, #tpu.memory_space<hbm>>) target_semaphore(%arg12 : memref<!tpu.dma_semaphore, #tpu.memory_space<semaphore_mem>>)
      %mul3A_317 = arith.constant 5 : i32
      %mul3A_318 = arith.muli %scan3A_286, %mul3A_317 : i32
      %add3A_319 = arith.constant 1 : i32
      %add3A_320 = arith.addi %mul3A_318, %add3A_319 : i32
      %dma_wait3A_321 = arith.constant 1 : i32
      %dma_wait3A_322 = arith.constant 0 : i32
      %dma_wait3A_323 = arith.constant 0 : i32
      %dma_wait3A_324 = tpu.memref_slice %arg6[%dma_wait3A_321, %dma_wait3A_322, %dma_wait3A_323] : memref<5x128x128xf32, #tpu.memory_space<vmem>> -> memref<1x128x128xf32, #tpu.memory_space<vmem>>
      %dma_wait3A_325 = tpu.memref_squeeze %dma_wait3A_324 : memref<1x128x128xf32, #tpu.memory_space<vmem>> -> memref<128x128xf32, #tpu.memory_space<vmem>>
      %dma_wait3A_326 = arith.constant 0 : i32
      %dma_wait3A_327 = tpu.memref_slice %arg5[%add3A_320, %dma_wait3A_326] : memref<50x128xi32, #tpu.memory_space<vmem>> -> memref<1x128xi32, #tpu.memory_space<vmem>>
      %dma_wait3A_328 = tpu.memref_squeeze %dma_wait3A_327 : memref<1x128xi32, #tpu.memory_space<vmem>> -> memref<128xi32, #tpu.memory_space<vmem>>
      %dma_wait3A_329 = arith.constant 0 : i32
      %dma_wait3A_330 = arith.constant 0 : i32
      %dma_wait3A_331 = tpu.memref_slice %arg3[%dma_wait3A_329, %dma_wait3A_330] : memref<100000x128xf32, #tpu.memory_space<hbm>> -> memref<100000x128xf32, #tpu.memory_space<hbm>>
      tpu.wait_indirect_dma semaphore(%arg8 : memref<!tpu.dma_semaphore, #tpu.memory_space<semaphore_mem>>) src(%dma_wait3A_331 : memref<100000x128xf32, #tpu.memory_space<hbm>>) dst(%dma_wait3A_325 : memref<128x128xf32, #tpu.memory_space<vmem>>)
      %dma_start3A_332 = arith.constant 1 : i32
      %dma_start3A_333 = arith.constant 0 : i32
      %dma_start3A_334 = arith.constant 0 : i32
      %dma_start3A_335 = tpu.memref_slice %arg6[%dma_start3A_332, %dma_start3A_333, %dma_start3A_334] : memref<5x128x128xf32, #tpu.memory_space<vmem>> -> memref<1x128x128xf32, #tpu.memory_space<vmem>>
      %dma_start3A_336 = tpu.memref_squeeze %dma_start3A_335 : memref<1x128x128xf32, #tpu.memory_space<vmem>> -> memref<128x128xf32, #tpu.memory_space<vmem>>
      %dma_start3A_337 = arith.constant 0 : i32
      %dma_start3A_338 = tpu.memref_slice %arg4[%add3A_320, %mul3A_2, %dma_start3A_337] : memref<50x4096x128xf32, #tpu.memory_space<hbm>> -> memref<1x128x128xf32, #tpu.memory_space<hbm>>
      %dma_start3A_339 = tpu.memref_squeeze %dma_start3A_338 : memref<1x128x128xf32, #tpu.memory_space<hbm>> -> memref<128x128xf32, #tpu.memory_space<hbm>>
      %dma_start3A_340 = arith.constant 0 : i32
      %dma_start3A_341 = tpu.memref_slice %arg4[%add3A_320, %mul3A_2, %dma_start3A_340] : memref<50x4096x128xf32, #tpu.memory_space<hbm>> -> memref<1x128x128xf32, #tpu.memory_space<hbm>>
      %dma_start3A_342 = tpu.memref_squeeze %dma_start3A_341 : memref<1x128x128xf32, #tpu.memory_space<hbm>> -> memref<128x128xf32, #tpu.memory_space<hbm>>
      %dma_start3A_343 = arith.constant 0 : i32
      %dma_start3A_344 = arith.constant 0 : i32
      %dma_start3A_345 = tpu.memref_slice %arg6[%dma_start3A_332, %dma_start3A_343, %dma_start3A_344] : memref<5x128x128xf32, #tpu.memory_space<vmem>> -> memref<1x128x128xf32, #tpu.memory_space<vmem>>
      %dma_start3A_346 = tpu.memref_squeeze %dma_start3A_345 : memref<1x128x128xf32, #tpu.memory_space<vmem>> -> memref<128x128xf32, #tpu.memory_space<vmem>>
      tpu.enqueue_dma source(%dma_start3A_346 : memref<128x128xf32, #tpu.memory_space<vmem>>) target(%dma_start3A_342 : memref<128x128xf32, #tpu.memory_space<hbm>>) target_semaphore(%arg13 : memref<!tpu.dma_semaphore, #tpu.memory_space<semaphore_mem>>)
      %sub3A = arith.constant 1 : i32
      %sub3A_347 = arith.subi %add3A_320, %sub3A : i32
      %dma_wait3A_348 = arith.constant 0 : i32
      %dma_wait3A_349 = arith.constant 0 : i32
      %dma_wait3A_350 = arith.constant 0 : i32
      %dma_wait3A_351 = tpu.memref_slice %arg6[%dma_wait3A_348, %dma_wait3A_349, %dma_wait3A_350] : memref<5x128x128xf32, #tpu.memory_space<vmem>> -> memref<1x128x128xf32, #tpu.memory_space<vmem>>
      %dma_wait3A_352 = tpu.memref_squeeze %dma_wait3A_351 : memref<1x128x128xf32, #tpu.memory_space<vmem>> -> memref<128x128xf32, #tpu.memory_space<vmem>>
      %dma_wait3A_353 = arith.constant 0 : i32
      %dma_wait3A_354 = tpu.memref_slice %arg4[%sub3A_347, %mul3A_2, %dma_wait3A_353] : memref<50x4096x128xf32, #tpu.memory_space<hbm>> -> memref<1x128x128xf32, #tpu.memory_space<hbm>>
      %dma_wait3A_355 = tpu.memref_squeeze %dma_wait3A_354 : memref<1x128x128xf32, #tpu.memory_space<hbm>> -> memref<128x128xf32, #tpu.memory_space<hbm>>
      %dma_wait3A_356 = arith.constant 0 : i32
      %dma_wait3A_357 = tpu.memref_slice %arg4[%sub3A_347, %mul3A_2, %dma_wait3A_356] : memref<50x4096x128xf32, #tpu.memory_space<hbm>> -> memref<1x128x128xf32, #tpu.memory_space<hbm>>
      %dma_wait3A_358 = tpu.memref_squeeze %dma_wait3A_357 : memref<1x128x128xf32, #tpu.memory_space<hbm>> -> memref<128x128xf32, #tpu.memory_space<hbm>>
      %dma_wait3A_359 = arith.constant 0 : i32
      %dma_wait3A_360 = arith.constant 0 : i32
      %dma_wait3A_361 = tpu.memref_slice %arg6[%dma_wait3A_348, %dma_wait3A_359, %dma_wait3A_360] : memref<5x128x128xf32, #tpu.memory_space<vmem>> -> memref<1x128x128xf32, #tpu.memory_space<vmem>>
      %dma_wait3A_362 = tpu.memref_squeeze %dma_wait3A_361 : memref<1x128x128xf32, #tpu.memory_space<vmem>> -> memref<128x128xf32, #tpu.memory_space<vmem>>
      tpu.wait_dma2 semaphore(%arg12 : memref<!tpu.dma_semaphore, #tpu.memory_space<semaphore_mem>>) src(%dma_wait3A_362 : memref<128x128xf32, #tpu.memory_space<vmem>>) dst(%dma_wait3A_358 : memref<128x128xf32, #tpu.memory_space<hbm>>)
      %sub3A_363 = arith.constant 1 : i32
      %sub3A_364 = arith.subi %add3A_320, %sub3A_363 : i32
      %add3A_365 = arith.constant 5 : i32
      %add3A_366 = arith.addi %sub3A_364, %add3A_365 : i32
      %dma_start3A_367 = arith.constant 0 : i32
      %dma_start3A_368 = arith.constant 0 : i32
      %dma_start3A_369 = arith.constant 0 : i32
      %dma_start3A_370 = tpu.memref_slice %arg6[%dma_start3A_367, %dma_start3A_368, %dma_start3A_369] : memref<5x128x128xf32, #tpu.memory_space<vmem>> -> memref<1x128x128xf32, #tpu.memory_space<vmem>>
      %dma_start3A_371 = tpu.memref_squeeze %dma_start3A_370 : memref<1x128x128xf32, #tpu.memory_space<vmem>> -> memref<128x128xf32, #tpu.memory_space<vmem>>
      %dma_start3A_372 = arith.constant 0 : i32
      %dma_start3A_373 = tpu.memref_slice %arg5[%add3A_366, %dma_start3A_372] : memref<50x128xi32, #tpu.memory_space<vmem>> -> memref<1x128xi32, #tpu.memory_space<vmem>>
      %dma_start3A_374 = tpu.memref_squeeze %dma_start3A_373 : memref<1x128xi32, #tpu.memory_space<vmem>> -> memref<128xi32, #tpu.memory_space<vmem>>
      %dma_start3A_375 = arith.constant 0 : i32
      %dma_start3A_376 = arith.constant 0 : i32
      %dma_start3A_377 = tpu.memref_slice %arg3[%dma_start3A_375, %dma_start3A_376] : memref<100000x128xf32, #tpu.memory_space<hbm>> -> memref<100000x128xf32, #tpu.memory_space<hbm>>
      tpu.enqueue_indirect_dma source(%dma_start3A_377 : memref<100000x128xf32, #tpu.memory_space<hbm>>) target(%dma_start3A_371 : memref<128x128xf32, #tpu.memory_space<vmem>>) offsets(%dma_start3A_374 : memref<128xi32, #tpu.memory_space<vmem>>) semaphore(%arg7 : memref<!tpu.dma_semaphore, #tpu.memory_space<semaphore_mem>>)
      %mul3A_378 = arith.constant 5 : i32
      %mul3A_379 = arith.muli %scan3A_286, %mul3A_378 : i32
      %add3A_380 = arith.constant 2 : i32
      %add3A_381 = arith.addi %mul3A_379, %add3A_380 : i32
      %dma_wait3A_382 = arith.constant 2 : i32
      %dma_wait3A_383 = arith.constant 0 : i32
      %dma_wait3A_384 = arith.constant 0 : i32
      %dma_wait3A_385 = tpu.memref_slice %arg6[%dma_wait3A_382, %dma_wait3A_383, %dma_wait3A_384] : memref<5x128x128xf32, #tpu.memory_space<vmem>> -> memref<1x128x128xf32, #tpu.memory_space<vmem>>
      %dma_wait3A_386 = tpu.memref_squeeze %dma_wait3A_385 : memref<1x128x128xf32, #tpu.memory_space<vmem>> -> memref<128x128xf32, #tpu.memory_space<vmem>>
      %dma_wait3A_387 = arith.constant 0 : i32
      %dma_wait3A_388 = tpu.memref_slice %arg5[%add3A_381, %dma_wait3A_387] : memref<50x128xi32, #tpu.memory_space<vmem>> -> memref<1x128xi32, #tpu.memory_space<vmem>>
      %dma_wait3A_389 = tpu.memref_squeeze %dma_wait3A_388 : memref<1x128xi32, #tpu.memory_space<vmem>> -> memref<128xi32, #tpu.memory_space<vmem>>
      %dma_wait3A_390 = arith.constant 0 : i32
      %dma_wait3A_391 = arith.constant 0 : i32
      %dma_wait3A_392 = tpu.memref_slice %arg3[%dma_wait3A_390, %dma_wait3A_391] : memref<100000x128xf32, #tpu.memory_space<hbm>> -> memref<100000x128xf32, #tpu.memory_space<hbm>>
      tpu.wait_indirect_dma semaphore(%arg9 : memref<!tpu.dma_semaphore, #tpu.memory_space<semaphore_mem>>) src(%dma_wait3A_392 : memref<100000x128xf32, #tpu.memory_space<hbm>>) dst(%dma_wait3A_386 : memref<128x128xf32, #tpu.memory_space<vmem>>)
      %dma_start3A_393 = arith.constant 2 : i32
      %dma_start3A_394 = arith.constant 0 : i32
      %dma_start3A_395 = arith.constant 0 : i32
      %dma_start3A_396 = tpu.memref_slice %arg6[%dma_start3A_393, %dma_start3A_394, %dma_start3A_395] : memref<5x128x128xf32, #tpu.memory_space<vmem>> -> memref<1x128x128xf32, #tpu.memory_space<vmem>>
      %dma_start3A_397 = tpu.memref_squeeze %dma_start3A_396 : memref<1x128x128xf32, #tpu.memory_space<vmem>> -> memref<128x128xf32, #tpu.memory_space<vmem>>
      %dma_start3A_398 = arith.constant 0 : i32
      %dma_start3A_399 = tpu.memref_slice %arg4[%add3A_381, %mul3A_2, %dma_start3A_398] : memref<50x4096x128xf32, #tpu.memory_space<hbm>> -> memref<1x128x128xf32, #tpu.memory_space<hbm>>
      %dma_start3A_400 = tpu.memref_squeeze %dma_start3A_399 : memref<1x128x128xf32, #tpu.memory_space<hbm>> -> memref<128x128xf32, #tpu.memory_space<hbm>>
      %dma_start3A_401 = arith.constant 0 : i32
      %dma_start3A_402 = tpu.memref_slice %arg4[%add3A_381, %mul3A_2, %dma_start3A_401] : memref<50x4096x128xf32, #tpu.memory_space<hbm>> -> memref<1x128x128xf32, #tpu.memory_space<hbm>>
      %dma_start3A_403 = tpu.memref_squeeze %dma_start3A_402 : memref<1x128x128xf32, #tpu.memory_space<hbm>> -> memref<128x128xf32, #tpu.memory_space<hbm>>
      %dma_start3A_404 = arith.constant 0 : i32
      %dma_start3A_405 = arith.constant 0 : i32
      %dma_start3A_406 = tpu.memref_slice %arg6[%dma_start3A_393, %dma_start3A_404, %dma_start3A_405] : memref<5x128x128xf32, #tpu.memory_space<vmem>> -> memref<1x128x128xf32, #tpu.memory_space<vmem>>
      %dma_start3A_407 = tpu.memref_squeeze %dma_start3A_406 : memref<1x128x128xf32, #tpu.memory_space<vmem>> -> memref<128x128xf32, #tpu.memory_space<vmem>>
      tpu.enqueue_dma source(%dma_start3A_407 : memref<128x128xf32, #tpu.memory_space<vmem>>) target(%dma_start3A_403 : memref<128x128xf32, #tpu.memory_space<hbm>>) target_semaphore(%arg14 : memref<!tpu.dma_semaphore, #tpu.memory_space<semaphore_mem>>)
      %sub3A_408 = arith.constant 1 : i32
      %sub3A_409 = arith.subi %add3A_381, %sub3A_408 : i32
      %dma_wait3A_410 = arith.constant 1 : i32
      %dma_wait3A_411 = arith.constant 0 : i32
      %dma_wait3A_412 = arith.constant 0 : i32
      %dma_wait3A_413 = tpu.memref_slice %arg6[%dma_wait3A_410, %dma_wait3A_411, %dma_wait3A_412] : memref<5x128x128xf32, #tpu.memory_space<vmem>> -> memref<1x128x128xf32, #tpu.memory_space<vmem>>
      %dma_wait3A_414 = tpu.memref_squeeze %dma_wait3A_413 : memref<1x128x128xf32, #tpu.memory_space<vmem>> -> memref<128x128xf32, #tpu.memory_space<vmem>>
      %dma_wait3A_415 = arith.constant 0 : i32
      %dma_wait3A_416 = tpu.memref_slice %arg4[%sub3A_409, %mul3A_2, %dma_wait3A_415] : memref<50x4096x128xf32, #tpu.memory_space<hbm>> -> memref<1x128x128xf32, #tpu.memory_space<hbm>>
      %dma_wait3A_417 = tpu.memref_squeeze %dma_wait3A_416 : memref<1x128x128xf32, #tpu.memory_space<hbm>> -> memref<128x128xf32, #tpu.memory_space<hbm>>
      %dma_wait3A_418 = arith.constant 0 : i32
      %dma_wait3A_419 = tpu.memref_slice %arg4[%sub3A_409, %mul3A_2, %dma_wait3A_418] : memref<50x4096x128xf32, #tpu.memory_space<hbm>> -> memref<1x128x128xf32, #tpu.memory_space<hbm>>
      %dma_wait3A_420 = tpu.memref_squeeze %dma_wait3A_419 : memref<1x128x128xf32, #tpu.memory_space<hbm>> -> memref<128x128xf32, #tpu.memory_space<hbm>>
      %dma_wait3A_421 = arith.constant 0 : i32
      %dma_wait3A_422 = arith.constant 0 : i32
      %dma_wait3A_423 = tpu.memref_slice %arg6[%dma_wait3A_410, %dma_wait3A_421, %dma_wait3A_422] : memref<5x128x128xf32, #tpu.memory_space<vmem>> -> memref<1x128x128xf32, #tpu.memory_space<vmem>>
      %dma_wait3A_424 = tpu.memref_squeeze %dma_wait3A_423 : memref<1x128x128xf32, #tpu.memory_space<vmem>> -> memref<128x128xf32, #tpu.memory_space<vmem>>
      tpu.wait_dma2 semaphore(%arg13 : memref<!tpu.dma_semaphore, #tpu.memory_space<semaphore_mem>>) src(%dma_wait3A_424 : memref<128x128xf32, #tpu.memory_space<vmem>>) dst(%dma_wait3A_420 : memref<128x128xf32, #tpu.memory_space<hbm>>)
      %sub3A_425 = arith.constant 1 : i32
      %sub3A_426 = arith.subi %add3A_381, %sub3A_425 : i32
      %add3A_427 = arith.constant 5 : i32
      %add3A_428 = arith.addi %sub3A_426, %add3A_427 : i32
      %dma_start3A_429 = arith.constant 1 : i32
      %dma_start3A_430 = arith.constant 0 : i32
      %dma_start3A_431 = arith.constant 0 : i32
      %dma_start3A_432 = tpu.memref_slice %arg6[%dma_start3A_429, %dma_start3A_430, %dma_start3A_431] : memref<5x128x128xf32, #tpu.memory_space<vmem>> -> memref<1x128x128xf32, #tpu.memory_space<vmem>>
      %dma_start3A_433 = tpu.memref_squeeze %dma_start3A_432 : memref<1x128x128xf32, #tpu.memory_space<vmem>> -> memref<128x128xf32, #tpu.memory_space<vmem>>
      %dma_start3A_434 = arith.constant 0 : i32
      %dma_start3A_435 = tpu.memref_slice %arg5[%add3A_428, %dma_start3A_434] : memref<50x128xi32, #tpu.memory_space<vmem>> -> memref<1x128xi32, #tpu.memory_space<vmem>>
      %dma_start3A_436 = tpu.memref_squeeze %dma_start3A_435 : memref<1x128xi32, #tpu.memory_space<vmem>> -> memref<128xi32, #tpu.memory_space<vmem>>
      %dma_start3A_437 = arith.constant 0 : i32
      %dma_start3A_438 = arith.constant 0 : i32
      %dma_start3A_439 = tpu.memref_slice %arg3[%dma_start3A_437, %dma_start3A_438] : memref<100000x128xf32, #tpu.memory_space<hbm>> -> memref<100000x128xf32, #tpu.memory_space<hbm>>
      tpu.enqueue_indirect_dma source(%dma_start3A_439 : memref<100000x128xf32, #tpu.memory_space<hbm>>) target(%dma_start3A_433 : memref<128x128xf32, #tpu.memory_space<vmem>>) offsets(%dma_start3A_436 : memref<128xi32, #tpu.memory_space<vmem>>) semaphore(%arg8 : memref<!tpu.dma_semaphore, #tpu.memory_space<semaphore_mem>>)
      %mul3A_440 = arith.constant 5 : i32
      %mul3A_441 = arith.muli %scan3A_286, %mul3A_440 : i32
      %add3A_442 = arith.constant 3 : i32
      %add3A_443 = arith.addi %mul3A_441, %add3A_442 : i32
      %dma_wait3A_444 = arith.constant 3 : i32
      %dma_wait3A_445 = arith.constant 0 : i32
      %dma_wait3A_446 = arith.constant 0 : i32
      %dma_wait3A_447 = tpu.memref_slice %arg6[%dma_wait3A_444, %dma_wait3A_445, %dma_wait3A_446] : memref<5x128x128xf32, #tpu.memory_space<vmem>> -> memref<1x128x128xf32, #tpu.memory_space<vmem>>
      %dma_wait3A_448 = tpu.memref_squeeze %dma_wait3A_447 : memref<1x128x128xf32, #tpu.memory_space<vmem>> -> memref<128x128xf32, #tpu.memory_space<vmem>>
      %dma_wait3A_449 = arith.constant 0 : i32
      %dma_wait3A_450 = tpu.memref_slice %arg5[%add3A_443, %dma_wait3A_449] : memref<50x128xi32, #tpu.memory_space<vmem>> -> memref<1x128xi32, #tpu.memory_space<vmem>>
      %dma_wait3A_451 = tpu.memref_squeeze %dma_wait3A_450 : memref<1x128xi32, #tpu.memory_space<vmem>> -> memref<128xi32, #tpu.memory_space<vmem>>
      %dma_wait3A_452 = arith.constant 0 : i32
      %dma_wait3A_453 = arith.constant 0 : i32
      %dma_wait3A_454 = tpu.memref_slice %arg3[%dma_wait3A_452, %dma_wait3A_453] : memref<100000x128xf32, #tpu.memory_space<hbm>> -> memref<100000x128xf32, #tpu.memory_space<hbm>>
      tpu.wait_indirect_dma semaphore(%arg10 : memref<!tpu.dma_semaphore, #tpu.memory_space<semaphore_mem>>) src(%dma_wait3A_454 : memref<100000x128xf32, #tpu.memory_space<hbm>>) dst(%dma_wait3A_448 : memref<128x128xf32, #tpu.memory_space<vmem>>)
      %dma_start3A_455 = arith.constant 3 : i32
      %dma_start3A_456 = arith.constant 0 : i32
      %dma_start3A_457 = arith.constant 0 : i32
      %dma_start3A_458 = tpu.memref_slice %arg6[%dma_start3A_455, %dma_start3A_456, %dma_start3A_457] : memref<5x128x128xf32, #tpu.memory_space<vmem>> -> memref<1x128x128xf32, #tpu.memory_space<vmem>>
      %dma_start3A_459 = tpu.memref_squeeze %dma_start3A_458 : memref<1x128x128xf32, #tpu.memory_space<vmem>> -> memref<128x128xf32, #tpu.memory_space<vmem>>
      %dma_start3A_460 = arith.constant 0 : i32
      %dma_start3A_461 = tpu.memref_slice %arg4[%add3A_443, %mul3A_2, %dma_start3A_460] : memref<50x4096x128xf32, #tpu.memory_space<hbm>> -> memref<1x128x128xf32, #tpu.memory_space<hbm>>
      %dma_start3A_462 = tpu.memref_squeeze %dma_start3A_461 : memref<1x128x128xf32, #tpu.memory_space<hbm>> -> memref<128x128xf32, #tpu.memory_space<hbm>>
      %dma_start3A_463 = arith.constant 0 : i32
      %dma_start3A_464 = tpu.memref_slice %arg4[%add3A_443, %mul3A_2, %dma_start3A_463] : memref<50x4096x128xf32, #tpu.memory_space<hbm>> -> memref<1x128x128xf32, #tpu.memory_space<hbm>>
      %dma_start3A_465 = tpu.memref_squeeze %dma_start3A_464 : memref<1x128x128xf32, #tpu.memory_space<hbm>> -> memref<128x128xf32, #tpu.memory_space<hbm>>
      %dma_start3A_466 = arith.constant 0 : i32
      %dma_start3A_467 = arith.constant 0 : i32
      %dma_start3A_468 = tpu.memref_slice %arg6[%dma_start3A_455, %dma_start3A_466, %dma_start3A_467] : memref<5x128x128xf32, #tpu.memory_space<vmem>> -> memref<1x128x128xf32, #tpu.memory_space<vmem>>
      %dma_start3A_469 = tpu.memref_squeeze %dma_start3A_468 : memref<1x128x128xf32, #tpu.memory_space<vmem>> -> memref<128x128xf32, #tpu.memory_space<vmem>>
      tpu.enqueue_dma source(%dma_start3A_469 : memref<128x128xf32, #tpu.memory_space<vmem>>) target(%dma_start3A_465 : memref<128x128xf32, #tpu.memory_space<hbm>>) target_semaphore(%arg15 : memref<!tpu.dma_semaphore, #tpu.memory_space<semaphore_mem>>)
      %sub3A_470 = arith.constant 1 : i32
      %sub3A_471 = arith.subi %add3A_443, %sub3A_470 : i32
      %dma_wait3A_472 = arith.constant 2 : i32
      %dma_wait3A_473 = arith.constant 0 : i32
      %dma_wait3A_474 = arith.constant 0 : i32
      %dma_wait3A_475 = tpu.memref_slice %arg6[%dma_wait3A_472, %dma_wait3A_473, %dma_wait3A_474] : memref<5x128x128xf32, #tpu.memory_space<vmem>> -> memref<1x128x128xf32, #tpu.memory_space<vmem>>
      %dma_wait3A_476 = tpu.memref_squeeze %dma_wait3A_475 : memref<1x128x128xf32, #tpu.memory_space<vmem>> -> memref<128x128xf32, #tpu.memory_space<vmem>>
      %dma_wait3A_477 = arith.constant 0 : i32
      %dma_wait3A_478 = tpu.memref_slice %arg4[%sub3A_471, %mul3A_2, %dma_wait3A_477] : memref<50x4096x128xf32, #tpu.memory_space<hbm>> -> memref<1x128x128xf32, #tpu.memory_space<hbm>>
      %dma_wait3A_479 = tpu.memref_squeeze %dma_wait3A_478 : memref<1x128x128xf32, #tpu.memory_space<hbm>> -> memref<128x128xf32, #tpu.memory_space<hbm>>
      %dma_wait3A_480 = arith.constant 0 : i32
      %dma_wait3A_481 = tpu.memref_slice %arg4[%sub3A_471, %mul3A_2, %dma_wait3A_480] : memref<50x4096x128xf32, #tpu.memory_space<hbm>> -> memref<1x128x128xf32, #tpu.memory_space<hbm>>
      %dma_wait3A_482 = tpu.memref_squeeze %dma_wait3A_481 : memref<1x128x128xf32, #tpu.memory_space<hbm>> -> memref<128x128xf32, #tpu.memory_space<hbm>>
      %dma_wait3A_483 = arith.constant 0 : i32
      %dma_wait3A_484 = arith.constant 0 : i32
      %dma_wait3A_485 = tpu.memref_slice %arg6[%dma_wait3A_472, %dma_wait3A_483, %dma_wait3A_484] : memref<5x128x128xf32, #tpu.memory_space<vmem>> -> memref<1x128x128xf32, #tpu.memory_space<vmem>>
      %dma_wait3A_486 = tpu.memref_squeeze %dma_wait3A_485 : memref<1x128x128xf32, #tpu.memory_space<vmem>> -> memref<128x128xf32, #tpu.memory_space<vmem>>
      tpu.wait_dma2 semaphore(%arg14 : memref<!tpu.dma_semaphore, #tpu.memory_space<semaphore_mem>>) src(%dma_wait3A_486 : memref<128x128xf32, #tpu.memory_space<vmem>>) dst(%dma_wait3A_482 : memref<128x128xf32, #tpu.memory_space<hbm>>)
      %sub3A_487 = arith.constant 1 : i32
      %sub3A_488 = arith.subi %add3A_443, %sub3A_487 : i32
      %add3A_489 = arith.constant 5 : i32
      %add3A_490 = arith.addi %sub3A_488, %add3A_489 : i32
      %dma_start3A_491 = arith.constant 2 : i32
      %dma_start3A_492 = arith.constant 0 : i32
      %dma_start3A_493 = arith.constant 0 : i32
      %dma_start3A_494 = tpu.memref_slice %arg6[%dma_start3A_491, %dma_start3A_492, %dma_start3A_493] : memref<5x128x128xf32, #tpu.memory_space<vmem>> -> memref<1x128x128xf32, #tpu.memory_space<vmem>>
      %dma_start3A_495 = tpu.memref_squeeze %dma_start3A_494 : memref<1x128x128xf32, #tpu.memory_space<vmem>> -> memref<128x128xf32, #tpu.memory_space<vmem>>
      %dma_start3A_496 = arith.constant 0 : i32
      %dma_start3A_497 = tpu.memref_slice %arg5[%add3A_490, %dma_start3A_496] : memref<50x128xi32, #tpu.memory_space<vmem>> -> memref<1x128xi32, #tpu.memory_space<vmem>>
      %dma_start3A_498 = tpu.memref_squeeze %dma_start3A_497 : memref<1x128xi32, #tpu.memory_space<vmem>> -> memref<128xi32, #tpu.memory_space<vmem>>
      %dma_start3A_499 = arith.constant 0 : i32
      %dma_start3A_500 = arith.constant 0 : i32
      %dma_start3A_501 = tpu.memref_slice %arg3[%dma_start3A_499, %dma_start3A_500] : memref<100000x128xf32, #tpu.memory_space<hbm>> -> memref<100000x128xf32, #tpu.memory_space<hbm>>
      tpu.enqueue_indirect_dma source(%dma_start3A_501 : memref<100000x128xf32, #tpu.memory_space<hbm>>) target(%dma_start3A_495 : memref<128x128xf32, #tpu.memory_space<vmem>>) offsets(%dma_start3A_498 : memref<128xi32, #tpu.memory_space<vmem>>) semaphore(%arg9 : memref<!tpu.dma_semaphore, #tpu.memory_space<semaphore_mem>>)
      %mul3A_502 = arith.constant 5 : i32
      %mul3A_503 = arith.muli %scan3A_286, %mul3A_502 : i32
      %add3A_504 = arith.constant 4 : i32
      %add3A_505 = arith.addi %mul3A_503, %add3A_504 : i32
      %dma_wait3A_506 = arith.constant 4 : i32
      %dma_wait3A_507 = arith.constant 0 : i32
      %dma_wait3A_508 = arith.constant 0 : i32
      %dma_wait3A_509 = tpu.memref_slice %arg6[%dma_wait3A_506, %dma_wait3A_507, %dma_wait3A_508] : memref<5x128x128xf32, #tpu.memory_space<vmem>> -> memref<1x128x128xf32, #tpu.memory_space<vmem>>
      %dma_wait3A_510 = tpu.memref_squeeze %dma_wait3A_509 : memref<1x128x128xf32, #tpu.memory_space<vmem>> -> memref<128x128xf32, #tpu.memory_space<vmem>>
      %dma_wait3A_511 = arith.constant 0 : i32
      %dma_wait3A_512 = tpu.memref_slice %arg5[%add3A_505, %dma_wait3A_511] : memref<50x128xi32, #tpu.memory_space<vmem>> -> memref<1x128xi32, #tpu.memory_space<vmem>>
      %dma_wait3A_513 = tpu.memref_squeeze %dma_wait3A_512 : memref<1x128xi32, #tpu.memory_space<vmem>> -> memref<128xi32, #tpu.memory_space<vmem>>
      %dma_wait3A_514 = arith.constant 0 : i32
      %dma_wait3A_515 = arith.constant 0 : i32
      %dma_wait3A_516 = tpu.memref_slice %arg3[%dma_wait3A_514, %dma_wait3A_515] : memref<100000x128xf32, #tpu.memory_space<hbm>> -> memref<100000x128xf32, #tpu.memory_space<hbm>>
      tpu.wait_indirect_dma semaphore(%arg11 : memref<!tpu.dma_semaphore, #tpu.memory_space<semaphore_mem>>) src(%dma_wait3A_516 : memref<100000x128xf32, #tpu.memory_space<hbm>>) dst(%dma_wait3A_510 : memref<128x128xf32, #tpu.memory_space<vmem>>)
      %dma_start3A_517 = arith.constant 4 : i32
      %dma_start3A_518 = arith.constant 0 : i32
      %dma_start3A_519 = arith.constant 0 : i32
      %dma_start3A_520 = tpu.memref_slice %arg6[%dma_start3A_517, %dma_start3A_518, %dma_start3A_519] : memref<5x128x128xf32, #tpu.memory_space<vmem>> -> memref<1x128x128xf32, #tpu.memory_space<vmem>>
      %dma_start3A_521 = tpu.memref_squeeze %dma_start3A_520 : memref<1x128x128xf32, #tpu.memory_space<vmem>> -> memref<128x128xf32, #tpu.memory_space<vmem>>
      %dma_start3A_522 = arith.constant 0 : i32
      %dma_start3A_523 = tpu.memref_slice %arg4[%add3A_505, %mul3A_2, %dma_start3A_522] : memref<50x4096x128xf32, #tpu.memory_space<hbm>> -> memref<1x128x128xf32, #tpu.memory_space<hbm>>
      %dma_start3A_524 = tpu.memref_squeeze %dma_start3A_523 : memref<1x128x128xf32, #tpu.memory_space<hbm>> -> memref<128x128xf32, #tpu.memory_space<hbm>>
      %dma_start3A_525 = arith.constant 0 : i32
      %dma_start3A_526 = tpu.memref_slice %arg4[%add3A_505, %mul3A_2, %dma_start3A_525] : memref<50x4096x128xf32, #tpu.memory_space<hbm>> -> memref<1x128x128xf32, #tpu.memory_space<hbm>>
      %dma_start3A_527 = tpu.memref_squeeze %dma_start3A_526 : memref<1x128x128xf32, #tpu.memory_space<hbm>> -> memref<128x128xf32, #tpu.memory_space<hbm>>
      %dma_start3A_528 = arith.constant 0 : i32
      %dma_start3A_529 = arith.constant 0 : i32
      %dma_start3A_530 = tpu.memref_slice %arg6[%dma_start3A_517, %dma_start3A_528, %dma_start3A_529] : memref<5x128x128xf32, #tpu.memory_space<vmem>> -> memref<1x128x128xf32, #tpu.memory_space<vmem>>
      %dma_start3A_531 = tpu.memref_squeeze %dma_start3A_530 : memref<1x128x128xf32, #tpu.memory_space<vmem>> -> memref<128x128xf32, #tpu.memory_space<vmem>>
      tpu.enqueue_dma source(%dma_start3A_531 : memref<128x128xf32, #tpu.memory_space<vmem>>) target(%dma_start3A_527 : memref<128x128xf32, #tpu.memory_space<hbm>>) target_semaphore(%arg16 : memref<!tpu.dma_semaphore, #tpu.memory_space<semaphore_mem>>)
      %sub3A_532 = arith.constant 1 : i32
      %sub3A_533 = arith.subi %add3A_505, %sub3A_532 : i32
      %dma_wait3A_534 = arith.constant 3 : i32
      %dma_wait3A_535 = arith.constant 0 : i32
      %dma_wait3A_536 = arith.constant 0 : i32
      %dma_wait3A_537 = tpu.memref_slice %arg6[%dma_wait3A_534, %dma_wait3A_535, %dma_wait3A_536] : memref<5x128x128xf32, #tpu.memory_space<vmem>> -> memref<1x128x128xf32, #tpu.memory_space<vmem>>
      %dma_wait3A_538 = tpu.memref_squeeze %dma_wait3A_537 : memref<1x128x128xf32, #tpu.memory_space<vmem>> -> memref<128x128xf32, #tpu.memory_space<vmem>>
      %dma_wait3A_539 = arith.constant 0 : i32
      %dma_wait3A_540 = tpu.memref_slice %arg4[%sub3A_533, %mul3A_2, %dma_wait3A_539] : memref<50x4096x128xf32, #tpu.memory_space<hbm>> -> memref<1x128x128xf32, #tpu.memory_space<hbm>>
      %dma_wait3A_541 = tpu.memref_squeeze %dma_wait3A_540 : memref<1x128x128xf32, #tpu.memory_space<hbm>> -> memref<128x128xf32, #tpu.memory_space<hbm>>
      %dma_wait3A_542 = arith.constant 0 : i32
      %dma_wait3A_543 = tpu.memref_slice %arg4[%sub3A_533, %mul3A_2, %dma_wait3A_542] : memref<50x4096x128xf32, #tpu.memory_space<hbm>> -> memref<1x128x128xf32, #tpu.memory_space<hbm>>
      %dma_wait3A_544 = tpu.memref_squeeze %dma_wait3A_543 : memref<1x128x128xf32, #tpu.memory_space<hbm>> -> memref<128x128xf32, #tpu.memory_space<hbm>>
      %dma_wait3A_545 = arith.constant 0 : i32
      %dma_wait3A_546 = arith.constant 0 : i32
      %dma_wait3A_547 = tpu.memref_slice %arg6[%dma_wait3A_534, %dma_wait3A_545, %dma_wait3A_546] : memref<5x128x128xf32, #tpu.memory_space<vmem>> -> memref<1x128x128xf32, #tpu.memory_space<vmem>>
      %dma_wait3A_548 = tpu.memref_squeeze %dma_wait3A_547 : memref<1x128x128xf32, #tpu.memory_space<vmem>> -> memref<128x128xf32, #tpu.memory_space<vmem>>
      tpu.wait_dma2 semaphore(%arg15 : memref<!tpu.dma_semaphore, #tpu.memory_space<semaphore_mem>>) src(%dma_wait3A_548 : memref<128x128xf32, #tpu.memory_space<vmem>>) dst(%dma_wait3A_544 : memref<128x128xf32, #tpu.memory_space<hbm>>)
      %sub3A_549 = arith.constant 1 : i32
      %sub3A_550 = arith.subi %add3A_505, %sub3A_549 : i32
      %add3A_551 = arith.constant 5 : i32
      %add3A_552 = arith.addi %sub3A_550, %add3A_551 : i32
      %dma_start3A_553 = arith.constant 3 : i32
      %dma_start3A_554 = arith.constant 0 : i32
      %dma_start3A_555 = arith.constant 0 : i32
      %dma_start3A_556 = tpu.memref_slice %arg6[%dma_start3A_553, %dma_start3A_554, %dma_start3A_555] : memref<5x128x128xf32, #tpu.memory_space<vmem>> -> memref<1x128x128xf32, #tpu.memory_space<vmem>>
      %dma_start3A_557 = tpu.memref_squeeze %dma_start3A_556 : memref<1x128x128xf32, #tpu.memory_space<vmem>> -> memref<128x128xf32, #tpu.memory_space<vmem>>
      %dma_start3A_558 = arith.constant 0 : i32
      %dma_start3A_559 = tpu.memref_slice %arg5[%add3A_552, %dma_start3A_558] : memref<50x128xi32, #tpu.memory_space<vmem>> -> memref<1x128xi32, #tpu.memory_space<vmem>>
      %dma_start3A_560 = tpu.memref_squeeze %dma_start3A_559 : memref<1x128xi32, #tpu.memory_space<vmem>> -> memref<128xi32, #tpu.memory_space<vmem>>
      %dma_start3A_561 = arith.constant 0 : i32
      %dma_start3A_562 = arith.constant 0 : i32
      %dma_start3A_563 = tpu.memref_slice %arg3[%dma_start3A_561, %dma_start3A_562] : memref<100000x128xf32, #tpu.memory_space<hbm>> -> memref<100000x128xf32, #tpu.memory_space<hbm>>
      tpu.enqueue_indirect_dma source(%dma_start3A_563 : memref<100000x128xf32, #tpu.memory_space<hbm>>) target(%dma_start3A_557 : memref<128x128xf32, #tpu.memory_space<vmem>>) offsets(%dma_start3A_560 : memref<128xi32, #tpu.memory_space<vmem>>) semaphore(%arg10 : memref<!tpu.dma_semaphore, #tpu.memory_space<semaphore_mem>>)
      %mul3A_564 = arith.constant 5 : i32
      %mul3A_565 = arith.muli %scan3A_286, %mul3A_564 : i32
      %add3A_566 = arith.constant 5 : i32
      %add3A_567 = arith.addi %mul3A_565, %add3A_566 : i32
      %sub3A_568 = arith.constant 1 : i32
      %sub3A_569 = arith.subi %add3A_567, %sub3A_568 : i32
      %dma_wait3A_570 = arith.constant 4 : i32
      %dma_wait3A_571 = arith.constant 0 : i32
      %dma_wait3A_572 = arith.constant 0 : i32
      %dma_wait3A_573 = tpu.memref_slice %arg6[%dma_wait3A_570, %dma_wait3A_571, %dma_wait3A_572] : memref<5x128x128xf32, #tpu.memory_space<vmem>> -> memref<1x128x128xf32, #tpu.memory_space<vmem>>
      %dma_wait3A_574 = tpu.memref_squeeze %dma_wait3A_573 : memref<1x128x128xf32, #tpu.memory_space<vmem>> -> memref<128x128xf32, #tpu.memory_space<vmem>>
      %dma_wait3A_575 = arith.constant 0 : i32
      %dma_wait3A_576 = tpu.memref_slice %arg4[%sub3A_569, %mul3A_2, %dma_wait3A_575] : memref<50x4096x128xf32, #tpu.memory_space<hbm>> -> memref<1x128x128xf32, #tpu.memory_space<hbm>>
      %dma_wait3A_577 = tpu.memref_squeeze %dma_wait3A_576 : memref<1x128x128xf32, #tpu.memory_space<hbm>> -> memref<128x128xf32, #tpu.memory_space<hbm>>
      %dma_wait3A_578 = arith.constant 0 : i32
      %dma_wait3A_579 = tpu.memref_slice %arg4[%sub3A_569, %mul3A_2, %dma_wait3A_578] : memref<50x4096x128xf32, #tpu.memory_space<hbm>> -> memref<1x128x128xf32, #tpu.memory_space<hbm>>
      %dma_wait3A_580 = tpu.memref_squeeze %dma_wait3A_579 : memref<1x128x128xf32, #tpu.memory_space<hbm>> -> memref<128x128xf32, #tpu.memory_space<hbm>>
      %dma_wait3A_581 = arith.constant 0 : i32
      %dma_wait3A_582 = arith.constant 0 : i32
      %dma_wait3A_583 = tpu.memref_slice %arg6[%dma_wait3A_570, %dma_wait3A_581, %dma_wait3A_582] : memref<5x128x128xf32, #tpu.memory_space<vmem>> -> memref<1x128x128xf32, #tpu.memory_space<vmem>>
      %dma_wait3A_584 = tpu.memref_squeeze %dma_wait3A_583 : memref<1x128x128xf32, #tpu.memory_space<vmem>> -> memref<128x128xf32, #tpu.memory_space<vmem>>
      tpu.wait_dma2 semaphore(%arg16 : memref<!tpu.dma_semaphore, #tpu.memory_space<semaphore_mem>>) src(%dma_wait3A_584 : memref<128x128xf32, #tpu.memory_space<vmem>>) dst(%dma_wait3A_580 : memref<128x128xf32, #tpu.memory_space<hbm>>)
      %add3A_585 = arith.constant 5 : i32
      %add3A_586 = arith.addi %sub3A_569, %add3A_585 : i32
      %dma_start3A_587 = arith.constant 4 : i32
      %dma_start3A_588 = arith.constant 0 : i32
      %dma_start3A_589 = arith.constant 0 : i32
      %dma_start3A_590 = tpu.memref_slice %arg6[%dma_start3A_587, %dma_start3A_588, %dma_start3A_589] : memref<5x128x128xf32, #tpu.memory_space<vmem>> -> memref<1x128x128xf32, #tpu.memory_space<vmem>>
      %dma_start3A_591 = tpu.memref_squeeze %dma_start3A_590 : memref<1x128x128xf32, #tpu.memory_space<vmem>> -> memref<128x128xf32, #tpu.memory_space<vmem>>
      %dma_start3A_592 = arith.constant 0 : i32
      %dma_start3A_593 = tpu.memref_slice %arg5[%add3A_586, %dma_start3A_592] : memref<50x128xi32, #tpu.memory_space<vmem>> -> memref<1x128xi32, #tpu.memory_space<vmem>>
      %dma_start3A_594 = tpu.memref_squeeze %dma_start3A_593 : memref<1x128xi32, #tpu.memory_space<vmem>> -> memref<128xi32, #tpu.memory_space<vmem>>
      %dma_start3A_595 = arith.constant 0 : i32
      %dma_start3A_596 = arith.constant 0 : i32
      %dma_start3A_597 = tpu.memref_slice %arg3[%dma_start3A_595, %dma_start3A_596] : memref<100000x128xf32, #tpu.memory_space<hbm>> -> memref<100000x128xf32, #tpu.memory_space<hbm>>
      tpu.enqueue_indirect_dma source(%dma_start3A_597 : memref<100000x128xf32, #tpu.memory_space<hbm>>) target(%dma_start3A_591 : memref<128x128xf32, #tpu.memory_space<vmem>>) offsets(%dma_start3A_594 : memref<128xi32, #tpu.memory_space<vmem>>) semaphore(%arg11 : memref<!tpu.dma_semaphore, #tpu.memory_space<semaphore_mem>>)
    }
    %scan3A_66 = arith.constant 9 : i32
    %dma_wait3A = arith.constant 45 : i32
    %dma_wait3A_67 = arith.constant 0 : i32
    %dma_wait3A_68 = arith.constant 0 : i32
    %dma_wait3A_69 = arith.constant 0 : i32
    %dma_wait3A_70 = tpu.memref_slice %arg6[%dma_wait3A_67, %dma_wait3A_68, %dma_wait3A_69] : memref<5x128x128xf32, #tpu.memory_space<vmem>> -> memref<1x128x128xf32, #tpu.memory_space<vmem>>
    %dma_wait3A_71 = tpu.memref_squeeze %dma_wait3A_70 : memref<1x128x128xf32, #tpu.memory_space<vmem>> -> memref<128x128xf32, #tpu.memory_space<vmem>>
    %dma_wait3A_72 = arith.constant 0 : i32
    %dma_wait3A_73 = tpu.memref_slice %arg5[%dma_wait3A, %dma_wait3A_72] : memref<50x128xi32, #tpu.memory_space<vmem>> -> memref<1x128xi32, #tpu.memory_space<vmem>>
    %dma_wait3A_74 = tpu.memref_squeeze %dma_wait3A_73 : memref<1x128xi32, #tpu.memory_space<vmem>> -> memref<128xi32, #tpu.memory_space<vmem>>
    %dma_wait3A_75 = arith.constant 0 : i32
    %dma_wait3A_76 = arith.constant 0 : i32
    %dma_wait3A_77 = tpu.memref_slice %arg3[%dma_wait3A_75, %dma_wait3A_76] : memref<100000x128xf32, #tpu.memory_space<hbm>> -> memref<100000x128xf32, #tpu.memory_space<hbm>>
    tpu.wait_indirect_dma semaphore(%arg7 : memref<!tpu.dma_semaphore, #tpu.memory_space<semaphore_mem>>) src(%dma_wait3A_77 : memref<100000x128xf32, #tpu.memory_space<hbm>>) dst(%dma_wait3A_71 : memref<128x128xf32, #tpu.memory_space<vmem>>)
    %dma_start3A_78 = arith.constant 0 : i32
    %dma_start3A_79 = arith.constant 45 : i32
    %dma_start3A_80 = arith.constant 0 : i32
    %dma_start3A_81 = arith.constant 0 : i32
    %dma_start3A_82 = tpu.memref_slice %arg6[%dma_start3A_78, %dma_start3A_80, %dma_start3A_81] : memref<5x128x128xf32, #tpu.memory_space<vmem>> -> memref<1x128x128xf32, #tpu.memory_space<vmem>>
    %dma_start3A_83 = tpu.memref_squeeze %dma_start3A_82 : memref<1x128x128xf32, #tpu.memory_space<vmem>> -> memref<128x128xf32, #tpu.memory_space<vmem>>
    %dma_start3A_84 = arith.constant 0 : i32
    %dma_start3A_85 = tpu.memref_slice %arg4[%dma_start3A_79, %mul3A_2, %dma_start3A_84] : memref<50x4096x128xf32, #tpu.memory_space<hbm>> -> memref<1x128x128xf32, #tpu.memory_space<hbm>>
    %dma_start3A_86 = tpu.memref_squeeze %dma_start3A_85 : memref<1x128x128xf32, #tpu.memory_space<hbm>> -> memref<128x128xf32, #tpu.memory_space<hbm>>
    %dma_start3A_87 = arith.constant 0 : i32
    %dma_start3A_88 = tpu.memref_slice %arg4[%dma_start3A_79, %mul3A_2, %dma_start3A_87] : memref<50x4096x128xf32, #tpu.memory_space<hbm>> -> memref<1x128x128xf32, #tpu.memory_space<hbm>>
    %dma_start3A_89 = tpu.memref_squeeze %dma_start3A_88 : memref<1x128x128xf32, #tpu.memory_space<hbm>> -> memref<128x128xf32, #tpu.memory_space<hbm>>
    %dma_start3A_90 = arith.constant 0 : i32
    %dma_start3A_91 = arith.constant 0 : i32
    %dma_start3A_92 = tpu.memref_slice %arg6[%dma_start3A_78, %dma_start3A_90, %dma_start3A_91] : memref<5x128x128xf32, #tpu.memory_space<vmem>> -> memref<1x128x128xf32, #tpu.memory_space<vmem>>
    %dma_start3A_93 = tpu.memref_squeeze %dma_start3A_92 : memref<1x128x128xf32, #tpu.memory_space<vmem>> -> memref<128x128xf32, #tpu.memory_space<vmem>>
    tpu.enqueue_dma source(%dma_start3A_93 : memref<128x128xf32, #tpu.memory_space<vmem>>) target(%dma_start3A_89 : memref<128x128xf32, #tpu.memory_space<hbm>>) target_semaphore(%arg12 : memref<!tpu.dma_semaphore, #tpu.memory_space<semaphore_mem>>)
    %dma_wait3A_94 = arith.constant 46 : i32
    %dma_wait3A_95 = arith.constant 1 : i32
    %dma_wait3A_96 = arith.constant 0 : i32
    %dma_wait3A_97 = arith.constant 0 : i32
    %dma_wait3A_98 = tpu.memref_slice %arg6[%dma_wait3A_95, %dma_wait3A_96, %dma_wait3A_97] : memref<5x128x128xf32, #tpu.memory_space<vmem>> -> memref<1x128x128xf32, #tpu.memory_space<vmem>>
    %dma_wait3A_99 = tpu.memref_squeeze %dma_wait3A_98 : memref<1x128x128xf32, #tpu.memory_space<vmem>> -> memref<128x128xf32, #tpu.memory_space<vmem>>
    %dma_wait3A_100 = arith.constant 0 : i32
    %dma_wait3A_101 = tpu.memref_slice %arg5[%dma_wait3A_94, %dma_wait3A_100] : memref<50x128xi32, #tpu.memory_space<vmem>> -> memref<1x128xi32, #tpu.memory_space<vmem>>
    %dma_wait3A_102 = tpu.memref_squeeze %dma_wait3A_101 : memref<1x128xi32, #tpu.memory_space<vmem>> -> memref<128xi32, #tpu.memory_space<vmem>>
    %dma_wait3A_103 = arith.constant 0 : i32
    %dma_wait3A_104 = arith.constant 0 : i32
    %dma_wait3A_105 = tpu.memref_slice %arg3[%dma_wait3A_103, %dma_wait3A_104] : memref<100000x128xf32, #tpu.memory_space<hbm>> -> memref<100000x128xf32, #tpu.memory_space<hbm>>
    tpu.wait_indirect_dma semaphore(%arg8 : memref<!tpu.dma_semaphore, #tpu.memory_space<semaphore_mem>>) src(%dma_wait3A_105 : memref<100000x128xf32, #tpu.memory_space<hbm>>) dst(%dma_wait3A_99 : memref<128x128xf32, #tpu.memory_space<vmem>>)
    %dma_start3A_106 = arith.constant 1 : i32
    %dma_start3A_107 = arith.constant 46 : i32
    %dma_start3A_108 = arith.constant 0 : i32
    %dma_start3A_109 = arith.constant 0 : i32
    %dma_start3A_110 = tpu.memref_slice %arg6[%dma_start3A_106, %dma_start3A_108, %dma_start3A_109] : memref<5x128x128xf32, #tpu.memory_space<vmem>> -> memref<1x128x128xf32, #tpu.memory_space<vmem>>
    %dma_start3A_111 = tpu.memref_squeeze %dma_start3A_110 : memref<1x128x128xf32, #tpu.memory_space<vmem>> -> memref<128x128xf32, #tpu.memory_space<vmem>>
    %dma_start3A_112 = arith.constant 0 : i32
    %dma_start3A_113 = tpu.memref_slice %arg4[%dma_start3A_107, %mul3A_2, %dma_start3A_112] : memref<50x4096x128xf32, #tpu.memory_space<hbm>> -> memref<1x128x128xf32, #tpu.memory_space<hbm>>
    %dma_start3A_114 = tpu.memref_squeeze %dma_start3A_113 : memref<1x128x128xf32, #tpu.memory_space<hbm>> -> memref<128x128xf32, #tpu.memory_space<hbm>>
    %dma_start3A_115 = arith.constant 0 : i32
    %dma_start3A_116 = tpu.memref_slice %arg4[%dma_start3A_107, %mul3A_2, %dma_start3A_115] : memref<50x4096x128xf32, #tpu.memory_space<hbm>> -> memref<1x128x128xf32, #tpu.memory_space<hbm>>
    %dma_start3A_117 = tpu.memref_squeeze %dma_start3A_116 : memref<1x128x128xf32, #tpu.memory_space<hbm>> -> memref<128x128xf32, #tpu.memory_space<hbm>>
    %dma_start3A_118 = arith.constant 0 : i32
    %dma_start3A_119 = arith.constant 0 : i32
    %dma_start3A_120 = tpu.memref_slice %arg6[%dma_start3A_106, %dma_start3A_118, %dma_start3A_119] : memref<5x128x128xf32, #tpu.memory_space<vmem>> -> memref<1x128x128xf32, #tpu.memory_space<vmem>>
    %dma_start3A_121 = tpu.memref_squeeze %dma_start3A_120 : memref<1x128x128xf32, #tpu.memory_space<vmem>> -> memref<128x128xf32, #tpu.memory_space<vmem>>
    tpu.enqueue_dma source(%dma_start3A_121 : memref<128x128xf32, #tpu.memory_space<vmem>>) target(%dma_start3A_117 : memref<128x128xf32, #tpu.memory_space<hbm>>) target_semaphore(%arg13 : memref<!tpu.dma_semaphore, #tpu.memory_space<semaphore_mem>>)
    %dma_wait3A_122 = arith.constant 0 : i32
    %dma_wait3A_123 = arith.constant 45 : i32
    %dma_wait3A_124 = arith.constant 0 : i32
    %dma_wait3A_125 = arith.constant 0 : i32
    %dma_wait3A_126 = tpu.memref_slice %arg6[%dma_wait3A_122, %dma_wait3A_124, %dma_wait3A_125] : memref<5x128x128xf32, #tpu.memory_space<vmem>> -> memref<1x128x128xf32, #tpu.memory_space<vmem>>
    %dma_wait3A_127 = tpu.memref_squeeze %dma_wait3A_126 : memref<1x128x128xf32, #tpu.memory_space<vmem>> -> memref<128x128xf32, #tpu.memory_space<vmem>>
    %dma_wait3A_128 = arith.constant 0 : i32
    %dma_wait3A_129 = tpu.memref_slice %arg4[%dma_wait3A_123, %mul3A_2, %dma_wait3A_128] : memref<50x4096x128xf32, #tpu.memory_space<hbm>> -> memref<1x128x128xf32, #tpu.memory_space<hbm>>
    %dma_wait3A_130 = tpu.memref_squeeze %dma_wait3A_129 : memref<1x128x128xf32, #tpu.memory_space<hbm>> -> memref<128x128xf32, #tpu.memory_space<hbm>>
    %dma_wait3A_131 = arith.constant 0 : i32
    %dma_wait3A_132 = tpu.memref_slice %arg4[%dma_wait3A_123, %mul3A_2, %dma_wait3A_131] : memref<50x4096x128xf32, #tpu.memory_space<hbm>> -> memref<1x128x128xf32, #tpu.memory_space<hbm>>
    %dma_wait3A_133 = tpu.memref_squeeze %dma_wait3A_132 : memref<1x128x128xf32, #tpu.memory_space<hbm>> -> memref<128x128xf32, #tpu.memory_space<hbm>>
    %dma_wait3A_134 = arith.constant 0 : i32
    %dma_wait3A_135 = arith.constant 0 : i32
    %dma_wait3A_136 = tpu.memref_slice %arg6[%dma_wait3A_122, %dma_wait3A_134, %dma_wait3A_135] : memref<5x128x128xf32, #tpu.memory_space<vmem>> -> memref<1x128x128xf32, #tpu.memory_space<vmem>>
    %dma_wait3A_137 = tpu.memref_squeeze %dma_wait3A_136 : memref<1x128x128xf32, #tpu.memory_space<vmem>> -> memref<128x128xf32, #tpu.memory_space<vmem>>
    tpu.wait_dma2 semaphore(%arg12 : memref<!tpu.dma_semaphore, #tpu.memory_space<semaphore_mem>>) src(%dma_wait3A_137 : memref<128x128xf32, #tpu.memory_space<vmem>>) dst(%dma_wait3A_133 : memref<128x128xf32, #tpu.memory_space<hbm>>)
    %dma_wait3A_138 = arith.constant 47 : i32
    %dma_wait3A_139 = arith.constant 2 : i32
    %dma_wait3A_140 = arith.constant 0 : i32
    %dma_wait3A_141 = arith.constant 0 : i32
    %dma_wait3A_142 = tpu.memref_slice %arg6[%dma_wait3A_139, %dma_wait3A_140, %dma_wait3A_141] : memref<5x128x128xf32, #tpu.memory_space<vmem>> -> memref<1x128x128xf32, #tpu.memory_space<vmem>>
    %dma_wait3A_143 = tpu.memref_squeeze %dma_wait3A_142 : memref<1x128x128xf32, #tpu.memory_space<vmem>> -> memref<128x128xf32, #tpu.memory_space<vmem>>
    %dma_wait3A_144 = arith.constant 0 : i32
    %dma_wait3A_145 = tpu.memref_slice %arg5[%dma_wait3A_138, %dma_wait3A_144] : memref<50x128xi32, #tpu.memory_space<vmem>> -> memref<1x128xi32, #tpu.memory_space<vmem>>
    %dma_wait3A_146 = tpu.memref_squeeze %dma_wait3A_145 : memref<1x128xi32, #tpu.memory_space<vmem>> -> memref<128xi32, #tpu.memory_space<vmem>>
    %dma_wait3A_147 = arith.constant 0 : i32
    %dma_wait3A_148 = arith.constant 0 : i32
    %dma_wait3A_149 = tpu.memref_slice %arg3[%dma_wait3A_147, %dma_wait3A_148] : memref<100000x128xf32, #tpu.memory_space<hbm>> -> memref<100000x128xf32, #tpu.memory_space<hbm>>
    tpu.wait_indirect_dma semaphore(%arg9 : memref<!tpu.dma_semaphore, #tpu.memory_space<semaphore_mem>>) src(%dma_wait3A_149 : memref<100000x128xf32, #tpu.memory_space<hbm>>) dst(%dma_wait3A_143 : memref<128x128xf32, #tpu.memory_space<vmem>>)
    %dma_start3A_150 = arith.constant 2 : i32
    %dma_start3A_151 = arith.constant 47 : i32
    %dma_start3A_152 = arith.constant 0 : i32
    %dma_start3A_153 = arith.constant 0 : i32
    %dma_start3A_154 = tpu.memref_slice %arg6[%dma_start3A_150, %dma_start3A_152, %dma_start3A_153] : memref<5x128x128xf32, #tpu.memory_space<vmem>> -> memref<1x128x128xf32, #tpu.memory_space<vmem>>
    %dma_start3A_155 = tpu.memref_squeeze %dma_start3A_154 : memref<1x128x128xf32, #tpu.memory_space<vmem>> -> memref<128x128xf32, #tpu.memory_space<vmem>>
    %dma_start3A_156 = arith.constant 0 : i32
    %dma_start3A_157 = tpu.memref_slice %arg4[%dma_start3A_151, %mul3A_2, %dma_start3A_156] : memref<50x4096x128xf32, #tpu.memory_space<hbm>> -> memref<1x128x128xf32, #tpu.memory_space<hbm>>
    %dma_start3A_158 = tpu.memref_squeeze %dma_start3A_157 : memref<1x128x128xf32, #tpu.memory_space<hbm>> -> memref<128x128xf32, #tpu.memory_space<hbm>>
    %dma_start3A_159 = arith.constant 0 : i32
    %dma_start3A_160 = tpu.memref_slice %arg4[%dma_start3A_151, %mul3A_2, %dma_start3A_159] : memref<50x4096x128xf32, #tpu.memory_space<hbm>> -> memref<1x128x128xf32, #tpu.memory_space<hbm>>
    %dma_start3A_161 = tpu.memref_squeeze %dma_start3A_160 : memref<1x128x128xf32, #tpu.memory_space<hbm>> -> memref<128x128xf32, #tpu.memory_space<hbm>>
    %dma_start3A_162 = arith.constant 0 : i32
    %dma_start3A_163 = arith.constant 0 : i32
    %dma_start3A_164 = tpu.memref_slice %arg6[%dma_start3A_150, %dma_start3A_162, %dma_start3A_163] : memref<5x128x128xf32, #tpu.memory_space<vmem>> -> memref<1x128x128xf32, #tpu.memory_space<vmem>>
    %dma_start3A_165 = tpu.memref_squeeze %dma_start3A_164 : memref<1x128x128xf32, #tpu.memory_space<vmem>> -> memref<128x128xf32, #tpu.memory_space<vmem>>
    tpu.enqueue_dma source(%dma_start3A_165 : memref<128x128xf32, #tpu.memory_space<vmem>>) target(%dma_start3A_161 : memref<128x128xf32, #tpu.memory_space<hbm>>) target_semaphore(%arg14 : memref<!tpu.dma_semaphore, #tpu.memory_space<semaphore_mem>>)
    %dma_wait3A_166 = arith.constant 1 : i32
    %dma_wait3A_167 = arith.constant 46 : i32
    %dma_wait3A_168 = arith.constant 0 : i32
    %dma_wait3A_169 = arith.constant 0 : i32
    %dma_wait3A_170 = tpu.memref_slice %arg6[%dma_wait3A_166, %dma_wait3A_168, %dma_wait3A_169] : memref<5x128x128xf32, #tpu.memory_space<vmem>> -> memref<1x128x128xf32, #tpu.memory_space<vmem>>
    %dma_wait3A_171 = tpu.memref_squeeze %dma_wait3A_170 : memref<1x128x128xf32, #tpu.memory_space<vmem>> -> memref<128x128xf32, #tpu.memory_space<vmem>>
    %dma_wait3A_172 = arith.constant 0 : i32
    %dma_wait3A_173 = tpu.memref_slice %arg4[%dma_wait3A_167, %mul3A_2, %dma_wait3A_172] : memref<50x4096x128xf32, #tpu.memory_space<hbm>> -> memref<1x128x128xf32, #tpu.memory_space<hbm>>
    %dma_wait3A_174 = tpu.memref_squeeze %dma_wait3A_173 : memref<1x128x128xf32, #tpu.memory_space<hbm>> -> memref<128x128xf32, #tpu.memory_space<hbm>>
    %dma_wait3A_175 = arith.constant 0 : i32
    %dma_wait3A_176 = tpu.memref_slice %arg4[%dma_wait3A_167, %mul3A_2, %dma_wait3A_175] : memref<50x4096x128xf32, #tpu.memory_space<hbm>> -> memref<1x128x128xf32, #tpu.memory_space<hbm>>
    %dma_wait3A_177 = tpu.memref_squeeze %dma_wait3A_176 : memref<1x128x128xf32, #tpu.memory_space<hbm>> -> memref<128x128xf32, #tpu.memory_space<hbm>>
    %dma_wait3A_178 = arith.constant 0 : i32
    %dma_wait3A_179 = arith.constant 0 : i32
    %dma_wait3A_180 = tpu.memref_slice %arg6[%dma_wait3A_166, %dma_wait3A_178, %dma_wait3A_179] : memref<5x128x128xf32, #tpu.memory_space<vmem>> -> memref<1x128x128xf32, #tpu.memory_space<vmem>>
    %dma_wait3A_181 = tpu.memref_squeeze %dma_wait3A_180 : memref<1x128x128xf32, #tpu.memory_space<vmem>> -> memref<128x128xf32, #tpu.memory_space<vmem>>
    tpu.wait_dma2 semaphore(%arg13 : memref<!tpu.dma_semaphore, #tpu.memory_space<semaphore_mem>>) src(%dma_wait3A_181 : memref<128x128xf32, #tpu.memory_space<vmem>>) dst(%dma_wait3A_177 : memref<128x128xf32, #tpu.memory_space<hbm>>)
    %dma_wait3A_182 = arith.constant 48 : i32
    %dma_wait3A_183 = arith.constant 3 : i32
    %dma_wait3A_184 = arith.constant 0 : i32
    %dma_wait3A_185 = arith.constant 0 : i32
    %dma_wait3A_186 = tpu.memref_slice %arg6[%dma_wait3A_183, %dma_wait3A_184, %dma_wait3A_185] : memref<5x128x128xf32, #tpu.memory_space<vmem>> -> memref<1x128x128xf32, #tpu.memory_space<vmem>>
    %dma_wait3A_187 = tpu.memref_squeeze %dma_wait3A_186 : memref<1x128x128xf32, #tpu.memory_space<vmem>> -> memref<128x128xf32, #tpu.memory_space<vmem>>
    %dma_wait3A_188 = arith.constant 0 : i32
    %dma_wait3A_189 = tpu.memref_slice %arg5[%dma_wait3A_182, %dma_wait3A_188] : memref<50x128xi32, #tpu.memory_space<vmem>> -> memref<1x128xi32, #tpu.memory_space<vmem>>
    %dma_wait3A_190 = tpu.memref_squeeze %dma_wait3A_189 : memref<1x128xi32, #tpu.memory_space<vmem>> -> memref<128xi32, #tpu.memory_space<vmem>>
    %dma_wait3A_191 = arith.constant 0 : i32
    %dma_wait3A_192 = arith.constant 0 : i32
    %dma_wait3A_193 = tpu.memref_slice %arg3[%dma_wait3A_191, %dma_wait3A_192] : memref<100000x128xf32, #tpu.memory_space<hbm>> -> memref<100000x128xf32, #tpu.memory_space<hbm>>
    tpu.wait_indirect_dma semaphore(%arg10 : memref<!tpu.dma_semaphore, #tpu.memory_space<semaphore_mem>>) src(%dma_wait3A_193 : memref<100000x128xf32, #tpu.memory_space<hbm>>) dst(%dma_wait3A_187 : memref<128x128xf32, #tpu.memory_space<vmem>>)
    %dma_start3A_194 = arith.constant 3 : i32
    %dma_start3A_195 = arith.constant 48 : i32
    %dma_start3A_196 = arith.constant 0 : i32
    %dma_start3A_197 = arith.constant 0 : i32
    %dma_start3A_198 = tpu.memref_slice %arg6[%dma_start3A_194, %dma_start3A_196, %dma_start3A_197] : memref<5x128x128xf32, #tpu.memory_space<vmem>> -> memref<1x128x128xf32, #tpu.memory_space<vmem>>
    %dma_start3A_199 = tpu.memref_squeeze %dma_start3A_198 : memref<1x128x128xf32, #tpu.memory_space<vmem>> -> memref<128x128xf32, #tpu.memory_space<vmem>>
    %dma_start3A_200 = arith.constant 0 : i32
    %dma_start3A_201 = tpu.memref_slice %arg4[%dma_start3A_195, %mul3A_2, %dma_start3A_200] : memref<50x4096x128xf32, #tpu.memory_space<hbm>> -> memref<1x128x128xf32, #tpu.memory_space<hbm>>
    %dma_start3A_202 = tpu.memref_squeeze %dma_start3A_201 : memref<1x128x128xf32, #tpu.memory_space<hbm>> -> memref<128x128xf32, #tpu.memory_space<hbm>>
    %dma_start3A_203 = arith.constant 0 : i32
    %dma_start3A_204 = tpu.memref_slice %arg4[%dma_start3A_195, %mul3A_2, %dma_start3A_203] : memref<50x4096x128xf32, #tpu.memory_space<hbm>> -> memref<1x128x128xf32, #tpu.memory_space<hbm>>
    %dma_start3A_205 = tpu.memref_squeeze %dma_start3A_204 : memref<1x128x128xf32, #tpu.memory_space<hbm>> -> memref<128x128xf32, #tpu.memory_space<hbm>>
    %dma_start3A_206 = arith.constant 0 : i32
    %dma_start3A_207 = arith.constant 0 : i32
    %dma_start3A_208 = tpu.memref_slice %arg6[%dma_start3A_194, %dma_start3A_206, %dma_start3A_207] : memref<5x128x128xf32, #tpu.memory_space<vmem>> -> memref<1x128x128xf32, #tpu.memory_space<vmem>>
    %dma_start3A_209 = tpu.memref_squeeze %dma_start3A_208 : memref<1x128x128xf32, #tpu.memory_space<vmem>> -> memref<128x128xf32, #tpu.memory_space<vmem>>
    tpu.enqueue_dma source(%dma_start3A_209 : memref<128x128xf32, #tpu.memory_space<vmem>>) target(%dma_start3A_205 : memref<128x128xf32, #tpu.memory_space<hbm>>) target_semaphore(%arg15 : memref<!tpu.dma_semaphore, #tpu.memory_space<semaphore_mem>>)
    %dma_wait3A_210 = arith.constant 2 : i32
    %dma_wait3A_211 = arith.constant 47 : i32
    %dma_wait3A_212 = arith.constant 0 : i32
    %dma_wait3A_213 = arith.constant 0 : i32
    %dma_wait3A_214 = tpu.memref_slice %arg6[%dma_wait3A_210, %dma_wait3A_212, %dma_wait3A_213] : memref<5x128x128xf32, #tpu.memory_space<vmem>> -> memref<1x128x128xf32, #tpu.memory_space<vmem>>
    %dma_wait3A_215 = tpu.memref_squeeze %dma_wait3A_214 : memref<1x128x128xf32, #tpu.memory_space<vmem>> -> memref<128x128xf32, #tpu.memory_space<vmem>>
    %dma_wait3A_216 = arith.constant 0 : i32
    %dma_wait3A_217 = tpu.memref_slice %arg4[%dma_wait3A_211, %mul3A_2, %dma_wait3A_216] : memref<50x4096x128xf32, #tpu.memory_space<hbm>> -> memref<1x128x128xf32, #tpu.memory_space<hbm>>
    %dma_wait3A_218 = tpu.memref_squeeze %dma_wait3A_217 : memref<1x128x128xf32, #tpu.memory_space<hbm>> -> memref<128x128xf32, #tpu.memory_space<hbm>>
    %dma_wait3A_219 = arith.constant 0 : i32
    %dma_wait3A_220 = tpu.memref_slice %arg4[%dma_wait3A_211, %mul3A_2, %dma_wait3A_219] : memref<50x4096x128xf32, #tpu.memory_space<hbm>> -> memref<1x128x128xf32, #tpu.memory_space<hbm>>
    %dma_wait3A_221 = tpu.memref_squeeze %dma_wait3A_220 : memref<1x128x128xf32, #tpu.memory_space<hbm>> -> memref<128x128xf32, #tpu.memory_space<hbm>>
    %dma_wait3A_222 = arith.constant 0 : i32
    %dma_wait3A_223 = arith.constant 0 : i32
    %dma_wait3A_224 = tpu.memref_slice %arg6[%dma_wait3A_210, %dma_wait3A_222, %dma_wait3A_223] : memref<5x128x128xf32, #tpu.memory_space<vmem>> -> memref<1x128x128xf32, #tpu.memory_space<vmem>>
    %dma_wait3A_225 = tpu.memref_squeeze %dma_wait3A_224 : memref<1x128x128xf32, #tpu.memory_space<vmem>> -> memref<128x128xf32, #tpu.memory_space<vmem>>
    tpu.wait_dma2 semaphore(%arg14 : memref<!tpu.dma_semaphore, #tpu.memory_space<semaphore_mem>>) src(%dma_wait3A_225 : memref<128x128xf32, #tpu.memory_space<vmem>>) dst(%dma_wait3A_221 : memref<128x128xf32, #tpu.memory_space<hbm>>)
    %dma_wait3A_226 = arith.constant 49 : i32
    %dma_wait3A_227 = arith.constant 4 : i32
    %dma_wait3A_228 = arith.constant 0 : i32
    %dma_wait3A_229 = arith.constant 0 : i32
    %dma_wait3A_230 = tpu.memref_slice %arg6[%dma_wait3A_227, %dma_wait3A_228, %dma_wait3A_229] : memref<5x128x128xf32, #tpu.memory_space<vmem>> -> memref<1x128x128xf32, #tpu.memory_space<vmem>>
    %dma_wait3A_231 = tpu.memref_squeeze %dma_wait3A_230 : memref<1x128x128xf32, #tpu.memory_space<vmem>> -> memref<128x128xf32, #tpu.memory_space<vmem>>
    %dma_wait3A_232 = arith.constant 0 : i32
    %dma_wait3A_233 = tpu.memref_slice %arg5[%dma_wait3A_226, %dma_wait3A_232] : memref<50x128xi32, #tpu.memory_space<vmem>> -> memref<1x128xi32, #tpu.memory_space<vmem>>
    %dma_wait3A_234 = tpu.memref_squeeze %dma_wait3A_233 : memref<1x128xi32, #tpu.memory_space<vmem>> -> memref<128xi32, #tpu.memory_space<vmem>>
    %dma_wait3A_235 = arith.constant 0 : i32
    %dma_wait3A_236 = arith.constant 0 : i32
    %dma_wait3A_237 = tpu.memref_slice %arg3[%dma_wait3A_235, %dma_wait3A_236] : memref<100000x128xf32, #tpu.memory_space<hbm>> -> memref<100000x128xf32, #tpu.memory_space<hbm>>
    tpu.wait_indirect_dma semaphore(%arg11 : memref<!tpu.dma_semaphore, #tpu.memory_space<semaphore_mem>>) src(%dma_wait3A_237 : memref<100000x128xf32, #tpu.memory_space<hbm>>) dst(%dma_wait3A_231 : memref<128x128xf32, #tpu.memory_space<vmem>>)
    %dma_start3A_238 = arith.constant 4 : i32
    %dma_start3A_239 = arith.constant 49 : i32
    %dma_start3A_240 = arith.constant 0 : i32
    %dma_start3A_241 = arith.constant 0 : i32
    %dma_start3A_242 = tpu.memref_slice %arg6[%dma_start3A_238, %dma_start3A_240, %dma_start3A_241] : memref<5x128x128xf32, #tpu.memory_space<vmem>> -> memref<1x128x128xf32, #tpu.memory_space<vmem>>
    %dma_start3A_243 = tpu.memref_squeeze %dma_start3A_242 : memref<1x128x128xf32, #tpu.memory_space<vmem>> -> memref<128x128xf32, #tpu.memory_space<vmem>>
    %dma_start3A_244 = arith.constant 0 : i32
    %dma_start3A_245 = tpu.memref_slice %arg4[%dma_start3A_239, %mul3A_2, %dma_start3A_244] : memref<50x4096x128xf32, #tpu.memory_space<hbm>> -> memref<1x128x128xf32, #tpu.memory_space<hbm>>
    %dma_start3A_246 = tpu.memref_squeeze %dma_start3A_245 : memref<1x128x128xf32, #tpu.memory_space<hbm>> -> memref<128x128xf32, #tpu.memory_space<hbm>>
    %dma_start3A_247 = arith.constant 0 : i32
    %dma_start3A_248 = tpu.memref_slice %arg4[%dma_start3A_239, %mul3A_2, %dma_start3A_247] : memref<50x4096x128xf32, #tpu.memory_space<hbm>> -> memref<1x128x128xf32, #tpu.memory_space<hbm>>
    %dma_start3A_249 = tpu.memref_squeeze %dma_start3A_248 : memref<1x128x128xf32, #tpu.memory_space<hbm>> -> memref<128x128xf32, #tpu.memory_space<hbm>>
    %dma_start3A_250 = arith.constant 0 : i32
    %dma_start3A_251 = arith.constant 0 : i32
    %dma_start3A_252 = tpu.memref_slice %arg6[%dma_start3A_238, %dma_start3A_250, %dma_start3A_251] : memref<5x128x128xf32, #tpu.memory_space<vmem>> -> memref<1x128x128xf32, #tpu.memory_space<vmem>>
    %dma_start3A_253 = tpu.memref_squeeze %dma_start3A_252 : memref<1x128x128xf32, #tpu.memory_space<vmem>> -> memref<128x128xf32, #tpu.memory_space<vmem>>
    tpu.enqueue_dma source(%dma_start3A_253 : memref<128x128xf32, #tpu.memory_space<vmem>>) target(%dma_start3A_249 : memref<128x128xf32, #tpu.memory_space<hbm>>) target_semaphore(%arg16 : memref<!tpu.dma_semaphore, #tpu.memory_space<semaphore_mem>>)
    %dma_wait3A_254 = arith.constant 3 : i32
    %dma_wait3A_255 = arith.constant 48 : i32
    %dma_wait3A_256 = arith.constant 0 : i32
    %dma_wait3A_257 = arith.constant 0 : i32
    %dma_wait3A_258 = tpu.memref_slice %arg6[%dma_wait3A_254, %dma_wait3A_256, %dma_wait3A_257] : memref<5x128x128xf32, #tpu.memory_space<vmem>> -> memref<1x128x128xf32, #tpu.memory_space<vmem>>
    %dma_wait3A_259 = tpu.memref_squeeze %dma_wait3A_258 : memref<1x128x128xf32, #tpu.memory_space<vmem>> -> memref<128x128xf32, #tpu.memory_space<vmem>>
    %dma_wait3A_260 = arith.constant 0 : i32
    %dma_wait3A_261 = tpu.memref_slice %arg4[%dma_wait3A_255, %mul3A_2, %dma_wait3A_260] : memref<50x4096x128xf32, #tpu.memory_space<hbm>> -> memref<1x128x128xf32, #tpu.memory_space<hbm>>
    %dma_wait3A_262 = tpu.memref_squeeze %dma_wait3A_261 : memref<1x128x128xf32, #tpu.memory_space<hbm>> -> memref<128x128xf32, #tpu.memory_space<hbm>>
    %dma_wait3A_263 = arith.constant 0 : i32
    %dma_wait3A_264 = tpu.memref_slice %arg4[%dma_wait3A_255, %mul3A_2, %dma_wait3A_263] : memref<50x4096x128xf32, #tpu.memory_space<hbm>> -> memref<1x128x128xf32, #tpu.memory_space<hbm>>
    %dma_wait3A_265 = tpu.memref_squeeze %dma_wait3A_264 : memref<1x128x128xf32, #tpu.memory_space<hbm>> -> memref<128x128xf32, #tpu.memory_space<hbm>>
    %dma_wait3A_266 = arith.constant 0 : i32
    %dma_wait3A_267 = arith.constant 0 : i32
    %dma_wait3A_268 = tpu.memref_slice %arg6[%dma_wait3A_254, %dma_wait3A_266, %dma_wait3A_267] : memref<5x128x128xf32, #tpu.memory_space<vmem>> -> memref<1x128x128xf32, #tpu.memory_space<vmem>>
    %dma_wait3A_269 = tpu.memref_squeeze %dma_wait3A_268 : memref<1x128x128xf32, #tpu.memory_space<vmem>> -> memref<128x128xf32, #tpu.memory_space<vmem>>
    tpu.wait_dma2 semaphore(%arg15 : memref<!tpu.dma_semaphore, #tpu.memory_space<semaphore_mem>>) src(%dma_wait3A_269 : memref<128x128xf32, #tpu.memory_space<vmem>>) dst(%dma_wait3A_265 : memref<128x128xf32, #tpu.memory_space<hbm>>)
    %dma_wait3A_270 = arith.constant 4 : i32
    %dma_wait3A_271 = arith.constant 49 : i32
    %dma_wait3A_272 = arith.constant 0 : i32
    %dma_wait3A_273 = arith.constant 0 : i32
    %dma_wait3A_274 = tpu.memref_slice %arg6[%dma_wait3A_270, %dma_wait3A_272, %dma_wait3A_273] : memref<5x128x128xf32, #tpu.memory_space<vmem>> -> memref<1x128x128xf32, #tpu.memory_space<vmem>>
    %dma_wait3A_275 = tpu.memref_squeeze %dma_wait3A_274 : memref<1x128x128xf32, #tpu.memory_space<vmem>> -> memref<128x128xf32, #tpu.memory_space<vmem>>
    %dma_wait3A_276 = arith.constant 0 : i32
    %dma_wait3A_277 = tpu.memref_slice %arg4[%dma_wait3A_271, %mul3A_2, %dma_wait3A_276] : memref<50x4096x128xf32, #tpu.memory_space<hbm>> -> memref<1x128x128xf32, #tpu.memory_space<hbm>>
    %dma_wait3A_278 = tpu.memref_squeeze %dma_wait3A_277 : memref<1x128x128xf32, #tpu.memory_space<hbm>> -> memref<128x128xf32, #tpu.memory_space<hbm>>
    %dma_wait3A_279 = arith.constant 0 : i32
    %dma_wait3A_280 = tpu.memref_slice %arg4[%dma_wait3A_271, %mul3A_2, %dma_wait3A_279] : memref<50x4096x128xf32, #tpu.memory_space<hbm>> -> memref<1x128x128xf32, #tpu.memory_space<hbm>>
    %dma_wait3A_281 = tpu.memref_squeeze %dma_wait3A_280 : memref<1x128x128xf32, #tpu.memory_space<hbm>> -> memref<128x128xf32, #tpu.memory_space<hbm>>
    %dma_wait3A_282 = arith.constant 0 : i32
    %dma_wait3A_283 = arith.constant 0 : i32
    %dma_wait3A_284 = tpu.memref_slice %arg6[%dma_wait3A_270, %dma_wait3A_282, %dma_wait3A_283] : memref<5x128x128xf32, #tpu.memory_space<vmem>> -> memref<1x128x128xf32, #tpu.memory_space<vmem>>
    %dma_wait3A_285 = tpu.memref_squeeze %dma_wait3A_284 : memref<1x128x128xf32, #tpu.memory_space<vmem>> -> memref<128x128xf32, #tpu.memory_space<vmem>>
    tpu.wait_dma2 semaphore(%arg16 : memref<!tpu.dma_semaphore, #tpu.memory_space<semaphore_mem>>) src(%dma_wait3A_285 : memref<128x128xf32, #tpu.memory_space<vmem>>) dst(%dma_wait3A_281 : memref<128x128xf32, #tpu.memory_space<hbm>>)
    return
  }
}

</mosaic_0001>

<sc_bundles>
// kernel: _sc_gather.3.cloned.1.call-start
scs
__scs_entry_jumppad:
0x0: {  	(pc) =	sbr.rel $0x88, $3  }
0x1: {  	(tag) =	ssettag $0x0;
	lr =	simm.s32 $0x1  }
0x2: {  	[smem:$0x3F9F] =	sst lr;
	_ =	strace $0xD0000000  }
0x3: {  	_ = 	snop  }
0x4: {  	_ = 	snop  }
0x5: {  	_ = 	snop  }
0x6: {  	_ = 	snop  }
0x7: {  	_ = 	snop  }
__scs_overlays_trampoline_lowered:
0x8: {  	[smem:$0x3FAE] =	sst s0  }
0x9: {  	[smem:$0x3FAF] =	sst s1  }
0xa: {  	[smem:$0x3FB0] =	sst s2  }
0xb: {  	[smem:$0x3FB1] =	sst s3  }
0xc: {  	[smem:$0x3FB2] =	sst s4  }
0xd: {  	[smem:$0x3FB3] =	sst s5  }
0xe: {  	[smem:$0x3FB4] =	sst s6  }
0xf: {  	[smem:$0x3FB5] =	sst s7  }
0x10: {  	[smem:$0x3FB6] =	sst s8  }
0x11: {  	[smem:$0x3FB7] =	sst s9;
	s0 =	simm.s32 @!p0 $0x0  }
0x12: {  	s1 =	sld [smem:$0x3F9D];
	s0 =	simm.s32 @p0 $0x1  }
0x13: {  	[smem:$0x3FB8] =	sst s0;
	s0 =	simm.s32 @!p1 $0x0  }
0x14: {  	s2 =	sld [smem:$0x3F9C];
	s0 =	simm.s32 @p1 $0x1  }
0x15: {  	[smem:$0x3FB9] =	sst s0;
	s0 =	simm.s32 @!p2 $0x0  }
0x16: {  	s3 =	sld [smem:$0x3FDB];
	s0 =	simm.s32 @p2 $0x1  }
0x17: {  	s4 =	simm.s32 $0x1BF5;
	[smem:$0x3FBB] =	sst s0  }
0x18: {  	s0 =	sld [smem:$0x3F9E];
	_ =	swait.ge [sflag:s4], $0x0  }
0x19: {  	s7 =	sld [smem:$0x3F9F]  }
0x1a: {  	s8 =	sadd.s32 $0xFFFFE003, lr  }
0x1b: {  	s9 =	sadd.s32 $0xFFFFFEF7, lr;
	s5 =	simm.s32 $0xFFFFFFFF;
	p2 =	slt.u32 s8, $0xFFFFF086  }
0x1c: {  	p1 =	slt.u32 s9, $0xF7A;
	s5 =	simm.s32 @!p2 $0x0  }
0x1d: {  	s5 =	simm.s32 @p1 $0x1;
	p0 =	seq.s32 s7, s2  }
0x1e: {  	s7 =	smul.u32 @!p0 $0xF7A, s2;
	p2 =	seq.s32 @!p0 s5, $0x0  }
0x1f: {  	s9 =	smul.u32 $0xF7A, s1;
	s8 =	simm.s32 @!p0 $0x1BF5;
	p2 =	por !p2, p0  }
0x20: {  	[sflag:s8] =	ssyncset.s32 @!p0 $0xFFFFF086;
	s6 =	sadd.s32 @!p0 s3, s7;
	s7 =	simm.s32 @!p0 $0x108  }
0x21: {  	s3 =	sadd.s32 s3, s9;
	s6 =	sadd.s32 @!p0 $0x88, s6;
	s7 =	simm.s32 @p2 $0x1082  }
0x22: {  	[simem:s7], [sflag:s8] =	dma.local @!p0 [hbm:s6], $0xF7A  }
0x23: {  	s9 =	sor.u32 $0xD0000000, s2;
	s6 =	simm.s32 $0x108;
	_ =	swait.ge @!p0 [sflag:s8], $0x0  }
0x24: {  	s3 =	sadd.s32 $0x88, s3;
	s6 =	simm.s32 @!p1 $0x1082;
	[sflag:s4] =	ssyncset.s32 $0xFFFFF086  }
0x25: {  	[simem:s6], [sflag:s4] =	dma.local [hbm:s3], $0xF7A  }
0x26: {  	[smem:$0x3F9F] =	sst s1;
	(tag) =	ssettag s2;
	_ =	strace s9  }
0x27: {  	s1 =	sld [smem:$0x3FAF]  }
0x28: {  	s2 =	sld [smem:$0x3FB0]  }
0x29: {  	s4 =	sld [smem:$0x3FB2]  }
0x2a: {  	p0 =	seq.s32 s5, $0x0;
	s5 =	sld [smem:$0x3FB3]  }
0x2b: {  	s6 =	sld [smem:$0x3FB4]  }
0x2c: {  	s7 =	sld [smem:$0x3FB5]  }
0x2d: {  	s3 =	simm.s32 $0x108;
	s8 =	sld [smem:$0x3FB6]  }
0x2e: {  	s3 =	simm.s32 @!p0 $0x1082;
	s9 =	sld [smem:$0x3FB7]  }
0x2f: {  	lr =	sadd.s32 s0, s3;
	s0 =	sld [smem:$0x3FAE]  }
0x30: {  	s3 =	sld [smem:$0x3FB1]  }
0x31: {  	[smem:$0x3FBA] =	sst s10  }
0x32: {  	s10 =	sld [smem:$0x3FB8];
	_ =	sdelay $0x3  }
0x33: {  	p0 =	seq.s32 s10, $0x1;
	s10 =	sld [smem:$0x3FBA];
	_ =	sdelay $0x3  }
0x34: {  	[smem:$0x3FBA] =	sst s10  }
0x35: {  	s10 =	sld [smem:$0x3FB9];
	_ =	sdelay $0x3  }
0x36: {  	p1 =	seq.s32 s10, $0x1;
	s10 =	sld [smem:$0x3FBA];
	_ =	sdelay $0x3  }
0x37: {  	[smem:$0x3FBA] =	sst s10  }
0x38: {  	s10 =	sld [smem:$0x3FBB]  }
0x39: {  	_ = 	snop;
	(pc) =	sbr.ind lr, $3  }
0x3a: {  	_ = 	snop  }
0x3b: {  	_ = 	snop  }
0x3c: {  	p2 =	seq.s32 s10, $0x1;
	s10 =	sld [smem:$0x3FBA]  }
0x3d: {  	_ =	shalt  }
0x3e: {  	_ =	shalt  }
0x3f: {  	_ =	shalt  }
0x40: {  	_ =	shalt  }
0x41: {  	_ =	shalt  }
0x42: {  	_ =	shalt  }
0x43: {  	_ =	shalt  }
0x44: {  	_ =	shalt  }
0x45: {  	_ =	shalt  }
0x46: {  	_ =	shalt  }
0x47: {  	_ =	shalt  }
0x48: {  	_ =	shalt  }
0x49: {  	_ =	shalt  }
0x4a: {  	_ =	shalt  }
0x4b: {  	_ =	shalt  }
0x4c: {  	_ =	shalt  }
0x4d: {  	_ =	shalt  }
0x4e: {  	_ =	shalt  }
0x4f: {  	_ =	shalt  }
0x50: {  	_ =	shalt  }
0x51: {  	_ =	shalt  }
0x52: {  	_ =	shalt  }
0x53: {  	_ =	shalt  }
0x54: {  	_ =	shalt  }
0x55: {  	_ =	shalt  }
0x56: {  	_ =	shalt  }
0x57: {  	_ =	shalt  }
0x58: {  	_ =	shalt  }
0x59: {  	_ =	shalt  }
0x5a: {  	_ =	shalt  }
0x5b: {  	_ =	shalt  }
0x5c: {  	_ =	shalt  }
0x5d: {  	_ =	shalt  }
0x5e: {  	_ =	shalt  }
0x5f: {  	_ =	shalt  }
0x60: {  	_ =	shalt  }
0x61: {  	_ =	shalt  }
0x62: {  	_ =	shalt  }
0x63: {  	_ =	shalt  }
0x64: {  	_ =	shalt  }
0x65: {  	_ =	shalt  }
0x66: {  	_ =	shalt  }
0x67: {  	_ =	shalt  }
0x68: {  	_ =	shalt  }
0x69: {  	_ =	shalt  }
0x6a: {  	_ =	shalt  }
0x6b: {  	_ =	shalt  }
0x6c: {  	_ =	shalt  }
0x6d: {  	_ =	shalt  }
0x6e: {  	_ =	shalt  }
0x6f: {  	_ =	shalt  }
0x70: {  	_ =	shalt  }
0x71: {  	_ =	shalt  }
0x72: {  	_ =	shalt  }
0x73: {  	_ =	shalt  }
0x74: {  	_ =	shalt  }
0x75: {  	_ =	shalt  }
0x76: {  	_ =	shalt  }
0x77: {  	_ =	shalt  }
0x78: {  	_ =	shalt  }
0x79: {  	_ =	shalt  }
0x7a: {  	_ =	shalt  }
0x7b: {  	_ =	shalt  }
0x7c: {  	_ =	shalt  }
0x7d: {  	_ =	shalt  }
0x7e: {  	_ =	shalt  }
0x7f: {  	_ =	shalt  }
0x80: {  	_ =	shalt  }
0x81: {  	_ =	shalt  }
0x82: {  	_ =	shalt  }
0x83: {  	_ =	shalt  }
0x84: {  	_ =	shalt  }
0x85: {  	_ =	shalt  }
0x86: {  	_ =	shalt  }
0x87: {  	_ =	shalt  }
.Lfunc_end0:
.L_simem_size_0:
called_computation_lowered:
.L_overlay_start_0:
0x88: {  	s2 =	sld [smem:$0x3FD9]  }
0x89: {  	s3 =	sld [smem:$0x3FFE];
	_ =	sdelay $0x1  }
0x8a: {  	s1 =	srdreg.scid  }
0x8b: {  	s0 =	sand.u32 $0x1, s1  }
0x8c: {  	s18 =	sshll.u32 s0, $0xA;
	s2 =	sadd.s32 s3, s2  }
0x8d: {  	s2 =	sadd.s32 s2, s18  }
0x8e: {  	[smem:$0x3FC6] =	sst s2  }
0x8f: {  	_ = 	snop  }
0x90: {  	s2 =	sld [smem:$0x3FC9]  }
0x91: {  	s19 =	sld [smem:$0x3FC8]  }
0x92: {  	s4 =	sld [smem:$0x3FD0];
	(tm) =	ssettm $0x1  }
0x93: {  	s5 =	sld [smem:$0x3FFB];
	_ =	sdelay $0x3  }
0x94: {  	_ =	strace s5  }
0x95: {  	s5 =	sld [smem:$0x3FFC];
	_ =	sdelay $0x3  }
0x96: {  	_ =	strace s5  }
0x97: {  	s5 =	sld [smem:$0x3FFD];
	_ =	sdelay $0x3  }
0x98: {  	_ =	strace s5  }
0x99: {  	_ =	strace $0x8FFFFFFF  }
0x9a: {  	s20 =	sld [smem:$0x3FDB];
	_ =	sdelay $0x1  }
0x9b: {  	s6 =	simm.s32 $_scs_section_size  }
0x9c: {  	s7 =	simm.s32 $_size__tile_overlayer_lowered;
	s8 =	simm.s32 $_tile_overlayer_lowered  }
0x9d: {  	s23 =	simm.s32 $0x1BFF;
	s22 =	sshll.u32 s8, $0x1;
	s5 =	sadd.s32 s6, s20  }
0x9e: {  	s9 =	simm.s32 $0x0;
	s21 =	sshll.u32 s7, $0x1;
	s7 =	sadd.s32 s22, s5  }
0x9f: {  	[timem:s9], [sflag:s23] =	dma.local [hbm:s7], s21  }
0xa0: {  	_ =	swait.ge [sflag:s23], s21  }
0xa1: {  	s6 =	ssub.s32 $0x0, s21;
	[sflag:s23] =	ssyncset.done $0x0  }
0xa2: {  	[sflag:s23] =	ssyncadd.s32 s6;
	_ =	sdelay $0x1  }
0xa3: {  	s24 =	simm.s32 $0x1B8B  }
0xa4: {  	_ =	swait.ge [sflag:s24], $0x1  }
0xa5: {  	[sflag:s24] =	ssyncset.done $0x0  }
0xa6: {  	s25 =	simm.s32 $0x1B8E;
	[sflag:s24] =	ssyncadd.s32 $0xFFFFFFFF  }
0xa7: {  	s26 =	simm.s32 $execute0_lowered;
	[smem:$0x3FD2] =	sst s25  }
0xa8: {  	s6 =	sshll.u32 s26, $0x1;
	_ =	strace $0x80000046;
	[dreg:$0x1] =	wrdreg $0xFFFFFFFF  }
0xa9: {  	s28 =	simm.s32 $_size_execute0_lowered;
	s5 =	sadd.s32 s5, s6;
	[dreg:$0x0] =	wrdreg $0x0  }
0xaa: {  	s6 =	sshll.u32 s28, $0x1;
	[dreg:$0x2] =	wrdreg s5  }
0xab: {  	[dreg:$0x3] =	wrdreg s6  }
0xac: {  	[dreg:$0x4] =	wrdreg $0xC0  }
0xad: {  	_ =	task [dreg:s9], $0x5FFFF  }
0xae: {  	[dreg:$0x1] =	wrdreg $0xFFFFFFFF  }
0xaf: {  	[dreg:$0x0] =	wrdreg $0x60  }
0xb0: {  	[dreg:$0x2] =	wrdreg s2  }
0xb1: {  	[dreg:$0x3] =	wrdreg s19  }
0xb2: {  	[dreg:$0x4] =	wrdreg s4  }
0xb3: {  	[dreg:$0x5] =	wrdreg $0x9  }
0xb4: {  	_ =	task.clear_ibuf [dreg:s9], $0x6FFFF;
	_ =	strace $0x90000046  }
0xb5: {  	s29 =	simm.s32 $0x9;
	_ =	strace $0x80000048  }
0xb6: {  	_ =	swait.ge [sflag:s29], $0x1  }
0xb7: {  	[sflag:s29] =	ssyncadd.s32 $0xFFFFFFFF  }
0xb8: {  	_ =	strace $0x90000048  }
0xb9: {  	_ =	sfence  }
0xba: {  	s30 =	sld [smem:$0x0];
	_ =	sdelay $0x2  }
0xbb: {  	s31 =	sshll.u32 s1, $0xD;
	s1 =	sshrl.u32 s1, $0x2  }
0xbc: {  	s3 =	sand.u32 $0x4000, s31;
	s1 =	sadd.s32 s1, s30  }
0xbd: {  	s0 =	sor.u32 s3, s0;
	s1 =	sshll.u32 s1, $0x11  }
0xbe: {  	s0 =	sor.u32 s1, s0  }
0xbf: {  	s0 =	sadd.s32 $0x8F2B, s0  }
0xc0: {  	[sflag:s0] =	ssyncadd.remote.s32 $0x1  }
0xc1: {  	_ =	sfence.sel $0xFFFF  }
0xc2: {  	[dreg:$0x0] =	wrdreg $0xFFFFFFFF;
	(pc) =	sbr.abs _section_cstart, $3  }
0xc3: {  	[dreg:$0x1] =	wrdreg $0xFFFFFFFF  }
0xc4: {  	_ =	task.clear_ibuf [dreg:s9], $0x2FFFF;
	_ =	strace $0x9FFFFFFF  }
0xc5: {  	(tm) =	ssettm $0x7FFFFFFF  }
tec
execute0_lowered:
.L_overlay_start_1:
0x0: {  	(tag) =	ssettag $0x1  }
0x1: {  	s0 =	rddreg [dreg:$0x0]  }
0x2: {  	s2 =	rddreg [dreg:$0x1]  }
0x3: {  	s1 =	rddreg [dreg:$0x2]  }
0x4: {  	s3 =	srdreg.scid;
	s8 =	stileid.u32  }
0x5: {  	s28 =	simm.s32 $0xDC00;
	s30 =	simm.s32 $0x11C00;
	s31 =	simm.s32 $0x1  }
0x6: {  	s29 =	simm.s32 $0x9;
	s4 =	sand.u32 $0x1, s3;
	s3 =	simm.s32 $0x0  }
0x7: {  	s5 =	sshll.u32 s8, $0x8;
	s15 =	sshll.u32 s8, $0xF;
	s6 =	sshll.u32 s4, $0x7  }
0x8: {  	[smem:$0x7FF] =	sst s3;
	s7 =	ssub.s32 $0x2, s4;
	s4 =	sshll.u32 s4, $0xE  }
0x9: {  	s5 =	sor.u32 s6, s5;
	_ =	strace $0x80000047;
	s12 =	sshrl.u32 s7, $0x1  }
0xa: {  	s4 =	sor.u32 s4, s15;
	s6 =	simm.s32 $0x0;
	s9 =	sadd.s32 s0, s5  }
0xb: {  	s13 =	ssub.s32 s7, s12;
	s5 =	sshll.u32 s5, $0x4;
	s20 =	sor.u32 $0x200000, s4  }
0xc: {  	s22 =	sor.u32 $0x180000, s4;
	s25 =	sor.u32 $0x100000, s4;
	s26 =	sor.u32 $0x80000, s4  }
0xd: {  	s4 =	sshrl.u32 s4, $0x3;
	[dreg:$0x4] =	wrdreg s9;
	s14 =	sadd.s32 $0x6000, s9  }
0xe: {  	s5 =	sadd.s32 s5, s1;
	s0 =	smax.u32 s13, $0x1;
	[dreg:$0x5] =	wrdreg s14  }
0xf: {  	s21 =	sshrl.u32 s20, $0x3;
	s16 =	sadd.s32 $0x2D0000, s5;
	[dreg:$0xb] =	wrdreg s0  }
0x10: {  	s24 =	sshrl.u32 s22, $0x3;
	s17 =	sadd.s32 $0x2E0000, s5;
	[dreg:$0x6] =	wrdreg s16  }
0x11: {  	s22 =	simm.s32 $0x1C00;
	s18 =	sadd.s32 $0x2F0000, s5;
	[dreg:$0x7] =	wrdreg s17  }
0x12: {  	s19 =	sadd.s32 $0x300000, s5;
	s5 =	sadd.s32 $0x310000, s5;
	[dreg:$0x8] =	wrdreg s18  }
0x13: {  	s23 =	sadd.s32 s21, s1;
	s13 =	sadd.s32 s24, s1;
	[dreg:$0x9] =	wrdreg s19  }
0x14: {  	s0 =	sshrl.u32 s25, $0x3;
	s21 =	simm.s32 $0x80;
	[dreg:$0xa] =	wrdreg s5  }
0x15: {  	s25 =	simm.s32 $0x9C00;
	s24 =	simm.s32 $0x8;
	[dreg:$0xc] =	wrdreg s23  }
0x16: {  	s5 =	sshrl.u32 s26, $0x3;
	s14 =	sadd.s32 s0, s1;
	s16 =	sadd.s32 s4, s1  }
0x17: {  	s23 =	simm.s32 $0x5C00;
	s0 =	simm.s32 $0x2;
	s17 =	simm.s32 $0x3  }
0x18: {  	s18 =	simm.s32 $0x7;
	s19 =	simm.s32 $0x4;
	s26 =	simm.s32 $0x5  }
0x19: {  	s15 =	sadd.s32 s5, s1;
	s1 =	simm.s32 $0x6;
	s5 =	simm.s32 $0xA  }
.LBB2_1:
0x1a: {  	s4 =	rddreg [dreg:$0x4];
	s7 =	simm.s32 $0x400;
	s8 =	simm.s32 $0x8000  }
0x1b: {  	[tilespmem:s3], [sflag:$0xB] =	stream.strided.gather [hbm4b:s4+s7], $0x1800, s8, s7, $0x38;
	[tilespmem:$0x15C00] =	vst v63  }
0x1c: {  	s11 =	rddreg [dreg:$0x5];
	s12 =	simm.s32 $0x1800;
	s20 =	simm.s32 $0xB  }
0x1d: {  	[tilespmem:s12], [sflag:$0xB] =	stream.linear.gather [hbm4b:s11+s3], $0x100, $0x38;
	[tilespmem:$0x15C00] =	vst v63  }
0x1e: {  	_ =	swait.ge [sflag:s20], $0x1900  }
0x1f: {  	[sflag:s20] =	ssyncset.done $0x0  }
0x20: {  	[sflag:s20] =	ssyncadd.s32 $0xFFFFE700  }
0x21: {  	[tilespmem:s22], [sflag:$0x1] =	stream.indirect.gather [hbm4b:s2+s21], $0x80, s3, s21, $0xb8;
	[tilespmem:$0x15C00] =	vst v63  }
0x22: {  	_ = 	snop  }
0x23: {  	[tilespmem:s23], [sflag:$0x2] =	stream.indirect.gather [hbm4b:s2+s21], $0x80, s21, s21, $0xb8;
	[tilespmem:$0x15C00] =	vst v63  }
0x24: {  	s7 =	simm.s32 $0x100  }
0x25: {  	[tilespmem:s25], [sflag:$0x3] =	stream.indirect.gather [hbm4b:s2+s21], $0x80, s7, s21, $0xb8;
	[tilespmem:$0x15C00] =	vst v63  }
0x26: {  	s8 =	simm.s32 $0x180  }
0x27: {  	[tilespmem:s28], [sflag:$0x4] =	stream.indirect.gather [hbm4b:s2+s21], $0x80, s8, s21, $0xb8;
	[tilespmem:$0x15C00] =	vst v63  }
0x28: {  	s9 =	simm.s32 $0x200  }
0x29: {  	[tilespmem:s30], [sflag:$0x5] =	stream.indirect.gather [hbm4b:s2+s21], $0x80, s9, s21, $0xb8;
	[tilespmem:$0x15C00] =	vst v63  }
0x2a: {  	_ =	swait.ge [sflag:s31], $0x4000  }
0x2b: {  	[sflag:s31] =	ssyncset.done $0x0  }
0x2c: {  	[sflag:s31] =	ssyncadd.s32 $0xFFFFC000  }
0x2d: {  	[hbm4b:s16+s3] =	stream.linear.scatter [tilespmem:s22], [sflag:$0x6], $0x4000, $0x38;
	[tilespmem:$0x15C00] =	vst v63  }
0x2e: {  	_ =	swait.ge [sflag:s0], $0x4000  }
0x2f: {  	[sflag:s0] =	ssyncset.done $0x0  }
0x30: {  	[sflag:s0] =	ssyncadd.s32 $0xFFFFC000  }
0x31: {  	[hbm4b:s15+s3] =	stream.linear.scatter [tilespmem:s23], [sflag:$0x7], $0x4000, $0x38;
	[tilespmem:$0x15C00] =	vst v63  }
0x32: {  	_ =	swait.ge [sflag:s1], $0x4000  }
0x33: {  	[sflag:s1] =	ssyncset.done $0x0  }
0x34: {  	s10 =	simm.s32 $0x280;
	[sflag:s1] =	ssyncadd.s32 $0xFFFFC000  }
0x35: {  	[tilespmem:s22], [sflag:$0x1] =	stream.indirect.gather [hbm4b:s2+s21], $0x80, s10, s21, $0xb8;
	[tilespmem:$0x15C00] =	vst v63  }
0x36: {  	_ =	swait.ge [sflag:s17], $0x4000  }
0x37: {  	[sflag:s17] =	ssyncset.done $0x0  }
0x38: {  	[sflag:s17] =	ssyncadd.s32 $0xFFFFC000  }
0x39: {  	[hbm4b:s14+s3] =	stream.linear.scatter [tilespmem:s25], [sflag:$0x8], $0x4000, $0x38;
	[tilespmem:$0x15C00] =	vst v63  }
0x3a: {  	_ =	swait.ge [sflag:s18], $0x4000  }
0x3b: {  	[sflag:s18] =	ssyncset.done $0x0  }
0x3c: {  	s11 =	simm.s32 $0x300;
	[sflag:s18] =	ssyncadd.s32 $0xFFFFC000  }
0x3d: {  	[tilespmem:s23], [sflag:$0x2] =	stream.indirect.gather [hbm4b:s2+s21], $0x80, s11, s21, $0xb8;
	[tilespmem:$0x15C00] =	vst v63  }
0x3e: {  	_ =	swait.ge [sflag:s19], $0x4000  }
0x3f: {  	[sflag:s19] =	ssyncset.done $0x0  }
0x40: {  	[sflag:s19] =	ssyncadd.s32 $0xFFFFC000  }
0x41: {  	[hbm4b:s13+s3] =	stream.linear.scatter [tilespmem:s28], [sflag:$0x9], $0x4000, $0x38;
	[tilespmem:$0x15C00] =	vst v63  }
0x42: {  	_ =	swait.ge [sflag:s24], $0x4000  }
0x43: {  	[sflag:s24] =	ssyncset.done $0x0  }
0x44: {  	s12 =	simm.s32 $0x380;
	[sflag:s24] =	ssyncadd.s32 $0xFFFFC000  }
0x45: {  	[tilespmem:s25], [sflag:$0x3] =	stream.indirect.gather [hbm4b:s2+s21], $0x80, s12, s21, $0xb8;
	[tilespmem:$0x15C00] =	vst v63  }
0x46: {  	_ =	swait.ge [sflag:s26], $0x4000  }
0x47: {  	[sflag:s26] =	ssyncset.done $0x0  }
0x48: {  	s11 =	rddreg [dreg:$0xc];
	[sflag:s26] =	ssyncadd.s32 $0xFFFFC000  }
0x49: {  	[hbm4b:s11+s3] =	stream.linear.scatter [tilespmem:s30], [sflag:$0xA], $0x4000, $0x38;
	[tilespmem:$0x15C00] =	vst v63  }
0x4a: {  	_ =	swait.ge [sflag:s29], $0x4000  }
0x4b: {  	[sflag:s29] =	ssyncset.done $0x0  }
0x4c: {  	s4 =	sadd.s32 $0x50000, s15;
	s20 =	simm.s32 $0x400;
	[sflag:s29] =	ssyncadd.s32 $0xFFFFC000  }
0x4d: {  	[tilespmem:s28], [sflag:$0x4] =	stream.indirect.gather [hbm4b:s2+s21], $0x80, s20, s21, $0xb8;
	[tilespmem:$0x15C00] =	vst v63  }
0x4e: {  	s7 =	simm.s32 $0xA00;
	s8 =	sadd.s32 $0x50000, s16;
	_ =	swait.ge [sflag:s5], $0x4000  }
0x4f: {  	s9 =	sadd.s32 $0x50000, s13;
	s10 =	sadd.s32 $0x50000, s14;
	[sflag:s5] =	ssyncset.done $0x0  }
0x50: {  	s11 =	sadd.s32 $0x50000, s11;
	s20 =	simm.s32 $0x480;
	[sflag:s5] =	ssyncadd.s32 $0xFFFFC000  }
.LBB2_2:
0x51: {  	[tilespmem:s30], [sflag:$0x5] =	stream.indirect.gather [hbm4b:s2+s21], $0x80, s20, s21, $0xb8;
	[tilespmem:$0x15C00] =	vst v63  }
0x52: {  	s20 =	smov.u32 s7  }
0x53: {  	p0 =	sne.s32 s7, $0x5000;
	s7 =	sadd.s32 $0xA00, s7;
	_ =	swait.ge [sflag:s31], $0x4000  }
0x54: {  	[sflag:s31] =	ssyncset.done $0x0  }
0x55: {  	[sflag:s31] =	ssyncadd.s32 $0xFFFFC000  }
0x56: {  	[hbm4b:s8+s3] =	stream.linear.scatter [tilespmem:s22], [sflag:$0x6], $0x4000, $0x38;
	[tilespmem:$0x15C00] =	vst v63  }
0x57: {  	_ =	swait.ge [sflag:s0], $0x4000  }
0x58: {  	[sflag:s0] =	ssyncset.done $0x0  }
0x59: {  	[sflag:s0] =	ssyncadd.s32 $0xFFFFC000  }
0x5a: {  	[hbm4b:s4+s3] =	stream.linear.scatter [tilespmem:s23], [sflag:$0x7], $0x4000, $0x38;
	[tilespmem:$0x15C00] =	vst v63  }
0x5b: {  	_ =	swait.ge [sflag:s1], $0x4000  }
0x5c: {  	s20 =	sshra.s32 s20, $0x2;
	[sflag:s1] =	ssyncset.done $0x0  }
0x5d: {  	s12 =	sadd.s32 $0x280, s20;
	[sflag:s1] =	ssyncadd.s32 $0xFFFFC000  }
0x5e: {  	[tilespmem:s22], [sflag:$0x1] =	stream.indirect.gather [hbm4b:s2+s21], $0x80, s12, s21, $0xb8;
	[tilespmem:$0x15C00] =	vst v63  }
0x5f: {  	_ =	swait.ge [sflag:s17], $0x4000  }
0x60: {  	[sflag:s17] =	ssyncset.done $0x0  }
0x61: {  	[sflag:s17] =	ssyncadd.s32 $0xFFFFC000  }
0x62: {  	[hbm4b:s10+s3] =	stream.linear.scatter [tilespmem:s25], [sflag:$0x8], $0x4000, $0x38;
	[tilespmem:$0x15C00] =	vst v63  }
0x63: {  	_ =	swait.ge [sflag:s18], $0x4000  }
0x64: {  	[sflag:s18] =	ssyncset.done $0x0  }
0x65: {  	s12 =	sadd.s32 $0x300, s20;
	[sflag:s18] =	ssyncadd.s32 $0xFFFFC000  }
0x66: {  	[tilespmem:s23], [sflag:$0x2] =	stream.indirect.gather [hbm4b:s2+s21], $0x80, s12, s21, $0xb8;
	[tilespmem:$0x15C00] =	vst v63  }
0x67: {  	_ =	swait.ge [sflag:s19], $0x4000  }
0x68: {  	[sflag:s19] =	ssyncset.done $0x0  }
0x69: {  	[sflag:s19] =	ssyncadd.s32 $0xFFFFC000  }
0x6a: {  	[hbm4b:s9+s3] =	stream.linear.scatter [tilespmem:s28], [sflag:$0x9], $0x4000, $0x38;
	[tilespmem:$0x15C00] =	vst v63  }
0x6b: {  	_ =	swait.ge [sflag:s24], $0x4000  }
0x6c: {  	[sflag:s24] =	ssyncset.done $0x0  }
0x6d: {  	s12 =	sadd.s32 $0x380, s20;
	[sflag:s24] =	ssyncadd.s32 $0xFFFFC000  }
0x6e: {  	[tilespmem:s25], [sflag:$0x3] =	stream.indirect.gather [hbm4b:s2+s21], $0x80, s12, s21, $0xb8;
	[tilespmem:$0x15C00] =	vst v63  }
0x6f: {  	_ =	swait.ge [sflag:s26], $0x4000  }
0x70: {  	[sflag:s26] =	ssyncset.done $0x0  }
0x71: {  	[sflag:s26] =	ssyncadd.s32 $0xFFFFC000  }
0x72: {  	[hbm4b:s11+s3] =	stream.linear.scatter [tilespmem:s30], [sflag:$0xA], $0x4000, $0x38;
	[tilespmem:$0x15C00] =	vst v63  }
0x73: {  	_ =	swait.ge [sflag:s29], $0x4000  }
0x74: {  	[sflag:s29] =	ssyncset.done $0x0  }
.Ltmp0:
0x75: {  	s12 =	sadd.s32 $0x400, s20;
	[sflag:s29] =	ssyncadd.s32 $0xFFFFC000;
	(pc) =	sbr.rel @p0 .LBB2_2-.Ltmp0, $4  }
0x76: {  	[tilespmem:s28], [sflag:$0x4] =	stream.indirect.gather [hbm4b:s2+s21], $0x80, s12, s21, $0xb8;
	[tilespmem:$0x15C00] =	vst v63  }
0x77: {  	s8 =	sadd.s32 $0x50000, s8;
	s4 =	sadd.s32 $0x50000, s4;
	_ =	swait.ge [sflag:s5], $0x4000  }
0x78: {  	s10 =	sadd.s32 $0x50000, s10;
	s9 =	sadd.s32 $0x50000, s9;
	[sflag:s5] =	ssyncset.done $0x0  }
0x79: {  	s20 =	sadd.s32 $0x480, s20;
	s11 =	sadd.s32 $0x50000, s11;
	[sflag:s5] =	ssyncadd.s32 $0xFFFFC000  }
0x7a: {  	[tilespmem:s30], [sflag:$0x5] =	stream.indirect.gather [hbm4b:s2+s21], $0x80, s20, s21, $0xb8;
	[tilespmem:$0x15C00] =	vst v63  }
0x7b: {  	_ =	swait.ge [sflag:s31], $0x4000  }
0x7c: {  	[sflag:s31] =	ssyncset.done $0x0  }
0x7d: {  	s4 =	rddreg [dreg:$0x6];
	[sflag:s31] =	ssyncadd.s32 $0xFFFFC000  }
0x7e: {  	[hbm4b:s4+s3] =	stream.linear.scatter [tilespmem:s22], [sflag:$0x6], $0x4000, $0x38;
	[tilespmem:$0x15C00] =	vst v63  }
0x7f: {  	_ =	swait.ge [sflag:s0], $0x4000  }
0x80: {  	[sflag:s0] =	ssyncset.done $0x0  }
0x81: {  	s9 =	rddreg [dreg:$0x7];
	[sflag:s0] =	ssyncadd.s32 $0xFFFFC000  }
0x82: {  	[hbm4b:s9+s3] =	stream.linear.scatter [tilespmem:s23], [sflag:$0x7], $0x4000, $0x38;
	[tilespmem:$0x15C00] =	vst v63  }
0x83: {  	_ =	swait.ge [sflag:s1], $0x4000  }
0x84: {  	[sflag:s1] =	ssyncset.done $0x0  }
0x85: {  	[sflag:s1] =	ssyncadd.s32 $0xFFFFC000  }
0x86: {  	_ =	swait.ge [sflag:s17], $0x4000  }
0x87: {  	[sflag:s17] =	ssyncset.done $0x0  }
0x88: {  	s10 =	rddreg [dreg:$0x8];
	[sflag:s17] =	ssyncadd.s32 $0xFFFFC000  }
0x89: {  	[hbm4b:s10+s3] =	stream.linear.scatter [tilespmem:s25], [sflag:$0x8], $0x4000, $0x38;
	[tilespmem:$0x15C00] =	vst v63  }
0x8a: {  	_ =	swait.ge [sflag:s18], $0x4000  }
0x8b: {  	[sflag:s18] =	ssyncset.done $0x0  }
0x8c: {  	[sflag:s18] =	ssyncadd.s32 $0xFFFFC000  }
0x8d: {  	_ =	swait.ge [sflag:s19], $0x4000  }
0x8e: {  	[sflag:s19] =	ssyncset.done $0x0  }
0x8f: {  	s11 =	rddreg [dreg:$0x9];
	[sflag:s19] =	ssyncadd.s32 $0xFFFFC000  }
0x90: {  	[hbm4b:s11+s3] =	stream.linear.scatter [tilespmem:s28], [sflag:$0x9], $0x4000, $0x38;
	[tilespmem:$0x15C00] =	vst v63  }
0x91: {  	_ =	swait.ge [sflag:s24], $0x4000  }
0x92: {  	[sflag:s24] =	ssyncset.done $0x0  }
0x93: {  	[sflag:s24] =	ssyncadd.s32 $0xFFFFC000  }
0x94: {  	_ =	swait.ge [sflag:s26], $0x4000  }
0x95: {  	[sflag:s26] =	ssyncset.done $0x0  }
0x96: {  	s12 =	rddreg [dreg:$0xa];
	[sflag:s26] =	ssyncadd.s32 $0xFFFFC000  }
0x97: {  	[hbm4b:s12+s3] =	stream.linear.scatter [tilespmem:s30], [sflag:$0xA], $0x4000, $0x38;
	[tilespmem:$0x15C00] =	vst v63  }
0x98: {  	_ =	swait.ge [sflag:s29], $0x4000  }
0x99: {  	[sflag:s29] =	ssyncset.done $0x0  }
0x9a: {  	[sflag:s29] =	ssyncadd.s32 $0xFFFFC000  }
0x9b: {  	_ =	swait.ge [sflag:s5], $0x4000  }
0x9c: {  	s6 =	sadd.s32 $0x1, s6;
	s20 =	rddreg [dreg:$0xb]  }
0x9d: {  	p0 =	sne.s32 s6, s20  }
.Ltmp1:
0x9e: {  	_ = 	snop;
	(pc) =	sbr.rel @p0 .LBB2_1-.Ltmp1, $3  }
0x9f: {  	_ =	sdelay $0x1  }
0xa0: {  	[sflag:s5] =	ssyncset.done $0x0  }
0xa1: {  	[sflag:s5] =	ssyncadd.s32 $0xFFFFC000  }
0xa2: {  	_ =	sfence.sel $0x180000  }
0xa3: {  	[bflag:$0x0] =	sbarrier.arrive $0xFFFF  }
0xa4: {  	_ =	strace $0x90000047  }
0xa5: {  	s0 =	stileid.u32;
	[bflag:$0x2] =	sbarrier.arrive $0xFFFF  }
0xa6: {  	p0 =	sne.s32 s0, $0x0;
	s0 =	rddreg [dreg:$0x3]  }
0xa7: {  	s0 =	sadd.s32 @!p0 $0x100000, s0  }
0xa8: {  	[sflag:s0] =	ssyncadd.tile.s32 @!p0 $0x1;
	_ =	shalt  }
.Lfunc_end2:
_tile_overlayer_lowered:
.L_overlay_start_2:
0xa9: {  	(tag) =	ssettag $0x2  }
0xaa: {  	s0 =	rddreg [dreg:$0x0];
	s2 =	stileid.u32  }
0xab: {  	s1 =	rddreg [dreg:$0x1];
	p0 =	sne.s32 s2, $0x0  }
0xac: {  	s3 =	rddreg [dreg:$0x2];
	[bflag:$0x3] =	sbarrier.arrive $0xFFFF;
	s2 =	simm.s32 @!p0 $0x1C0B  }
0xad: {  	[timem:s3], [sflag:s2] =	dma.local @!p0 [hbm:s0], s1  }
0xae: {  	s0 =	simm.s32 @!p0 $0xB  }
0xaf: {  	_ =	swait.ge @!p0 [sflag:s0], s1  }
0xb0: {  	s1 =	ssub.s32 @!p0 $0x0, s1;
	[sflag:s0] =	ssyncset.done @!p0 $0x0  }
0xb1: {  	[sflag:s0] =	ssyncadd.s32 @!p0 s1  }
0xb2: {  	[bflag:$0x3] =	sbarrier.arrive $0xFFFF  }
0xb3: {  	_ =	shalt  }

</sc_bundles>
